<compile_context>
chip_gen: v7x
topology: tpu7x:2x2x1
jax: 0.10.2.dev20260603
libtpu: 0.0.44.dev20260713+nightly
codegen_flags: <defaults>
</compile_context>

<pallas_src>
import functools

import jax
import jax.numpy as jnp
from jax import lax
from jax.experimental import pallas as pl
from jax.experimental.pallas import tpu as pltpu
from jax.experimental.pallas import tpu_sc as plsc

_WS = 24
_WA = _WS * _WS
_H = 32
_R = (2 * _WS - 1) ** 2
_RP = 2304
_CW = (2 * _WS - 1) * _WS
_CWP = 1152
_NC, _NS, _L = 2, 16, 16
_BAND = _WS * _WA


def _sc_body(tbl_hbm, idxa_hbm, idxb_hbm, c_hbm, tbl_v, idxa_v, idxb_v, c_v,
             sem):
    h = lax.axis_index("s") * _NC + lax.axis_index("c")

    pltpu.async_copy(tbl_hbm.at[pl.ds(h * _RP, _RP)], tbl_v, sem)
    pltpu.async_copy(idxa_hbm, idxa_v, sem)
    pltpu.async_copy(idxb_hbm, idxb_v, sem)
    pltpu.make_async_copy(tbl_hbm.at[pl.ds(h * _RP, _RP)], tbl_v, sem).wait()
    pltpu.make_async_copy(idxa_hbm, idxa_v, sem).wait()
    pltpu.make_async_copy(idxb_hbm, idxb_v, sem).wait()

    def x1_body(x1, _):
        ra = x1 * _WA
        rb = x1 * _WA

        def run_batch(srcs):
            vals = [plsc.load_gather(tbl_v, [idx_ref[pl.ds(off, _L)]])
                    for idx_ref, off, _ in srcs]
            for (_, _, dst), v in zip(srcs, vals):
                c_v[x1, pl.ds(dst, _L)] = v

        srcs = [(idxb_v, rb + g * _L, g * _L) for g in range(_WA // _L)]
        srcs += [(idxa_v, ra + _WS + g * _L, _WA + g * _L) for g in range(34)]
        srcs += [(idxa_v, ra + _WA - _L, _CW - _L)]
        for s in range(0, len(srcs), 12):
            run_batch(srcs[s:s + 12])
        return 0

    lax.fori_loop(0, 16, x1_body, 0)
    pltpu.async_copy(c_v.at[pl.ds(0, 16)], c_hbm.at[h, pl.ds(0, 16)], sem)
    lax.fori_loop(16, _WS, x1_body, 0)
    pltpu.async_copy(c_v.at[pl.ds(16, 8)], c_hbm.at[h, pl.ds(16, 8)], sem)
    pltpu.make_async_copy(c_v.at[pl.ds(0, 16)],
                          c_hbm.at[h, pl.ds(0, 16)], sem).wait()
    pltpu.make_async_copy(c_v.at[pl.ds(16, 8)],
                          c_hbm.at[h, pl.ds(16, 8)], sem).wait()


def _tc_body(c_ref, o_ref):
    for y1 in range(_WS):
        k0 = (_WS - 1 - y1) * _WS
        o_ref[:, y1 * _WS:(y1 + 1) * _WS, :] = c_ref[:, :, k0:k0 + _WA]


@functools.partial(jax.jit, static_argnums=())
def _run(tbl_t_pad, idx_a, idx_b):
    sc = pl.kernel(
        _sc_body,
        out_type=jax.ShapeDtypeStruct((_H, _WS, _CWP), jnp.float32),
        mesh=plsc.VectorSubcoreMesh(core_axis_name="c", subcore_axis_name="s"),
        compiler_params=pltpu.CompilerParams(needs_layout_passes=False),
        scratch_types=[
            pltpu.VMEM((_RP,), jnp.float32),
            pltpu.VMEM((_BAND,), jnp.int32),
            pltpu.VMEM((_BAND,), jnp.int32),
            pltpu.VMEM((_WS, _CWP), jnp.float32),
            pltpu.SemaphoreType.DMA,
        ],
    )
    c = sc(tbl_t_pad, idx_a, idx_b)

    out = pl.pallas_call(
        _tc_body,
        grid=(_H // 4,),
        in_specs=[pl.BlockSpec((4, _WS, _CWP), lambda hh: (hh, 0, 0))],
        out_specs=pl.BlockSpec((4, _WA, _WA), lambda hh: (hh, 0, 0)),
        out_shape=jax.ShapeDtypeStruct((_H, _WA, _WA), jnp.float32),
        compiler_params=pltpu.CompilerParams(
            dimension_semantics=("parallel",)),
    )(c)
    return out


def kernel(relative_position_bias_table, relative_position_index):
    tbl_t = relative_position_bias_table.T
    tbl_t_pad = jnp.pad(tbl_t, ((0, 0), (0, _RP - _R))).reshape(-1)
    idx2d = relative_position_index.astype(jnp.int32)
    idx_a = idx2d[:_WS].reshape(-1)
    idx_b = idx2d[_WA - _WS:].reshape(-1)
    return _run(tbl_t_pad, idx_a, idx_b)[None]

# --- scband reference (transcript-rebuilt; emitter-appended) ---
"""Pipeline reference for scband-swin-relative-position-bias-87162066305322 (READ-ONLY COPY).

The authoritative reference and input builder live on the scoring server;
editing this copy changes nothing except your own understanding.
"""

import jax, jax.numpy as jnp
import numpy as np

WINDOW_SIZE = (24, 24)
NUM_HEADS = 32

def _create_relative_position_index(ws):
    coords_h = np.arange(ws[0])
    coords_w = np.arange(ws[1])
    coords = np.stack(np.meshgrid(coords_h, coords_w, indexing='ij'))
    coords_flatten = coords.reshape(2, -1)
    relative_coords = coords_flatten[:, :, None] - coords_flatten[:, None, :]
    relative_coords = relative_coords.transpose(1, 2, 0).copy()
    relative_coords[:, :, 0] += ws[0] - 1
    relative_coords[:, :, 1] += ws[1] - 1
    relative_coords[:, :, 0] *= 2 * ws[1] - 1
    return relative_coords.sum(-1).astype(np.int32)

def setup_inputs(seed: int = 0) -> dict:
    key = jax.random.key(seed)
    num_rel = (2 * WINDOW_SIZE[0] - 1) * (2 * WINDOW_SIZE[1] - 1)
    table = jax.random.normal(key, (num_rel, NUM_HEADS), dtype=jnp.float32) * 0.02
    idx = jnp.asarray(_create_relative_position_index(WINDOW_SIZE))
    return {"relative_position_bias_table": table, "relative_position_index": idx}

def reference(relative_position_bias_table, relative_position_index):
    window_area = WINDOW_SIZE[0] * WINDOW_SIZE[1]
    relative_position_bias = jnp.take(relative_position_bias_table, relative_position_index.reshape(-1), axis=0)
    relative_position_bias = relative_position_bias.reshape(window_area, window_area, -1)
    relative_position_bias = jnp.transpose(relative_position_bias, (2, 0, 1))
    return relative_position_bias[None, ...]

if __name__ == "__main__":
    import jax
    _d = setup_inputs()
    print(jax.jit(kernel)(*tuple(_d.values())))

</pallas_src>

<mosaic_0001>
#map = affine_map<(d0, d1) -> (0)>
#map1 = affine_map<(d0, d1) -> (0, 0, 0)>
module attributes {stable_mosaic.version = 14 : i64} {
  func.func @_sc_body(%arg0: i32, %arg1: i32, %arg2: memref<73728xf32, #tpu.memory_space<hbm>>, %arg3: memref<13824xi32, #tpu.memory_space<hbm>>, %arg4: memref<13824xi32, #tpu.memory_space<hbm>>, %arg5: memref<32x24x1152xf32, #tpu.memory_space<hbm>>, %arg6: memref<2304xf32, #tpu.memory_space<vmem>>, %arg7: memref<13824xi32, #tpu.memory_space<vmem>>, %arg8: memref<13824xi32, #tpu.memory_space<vmem>>, %arg9: memref<24x1152xf32, #tpu.memory_space<vmem>>, %arg10: memref<!tpu.dma_semaphore, #tpu.memory_space<semaphore_mem>>) attributes {dimension_semantics = [#tpu.dimension_semantics<core_parallel>, #tpu.dimension_semantics<subcore_parallel>], iteration_bounds = array<i64: 2, 16>, scalar_prefetch = 0 : i64, scratch_operands = 5 : i64, tpu.core_type = #tpu.core_type<sc_vector_subcore>, window_params = [{transform_indices = #map}, {transform_indices = #map}, {transform_indices = #map}, {transform_indices = #map1}]} {
    %mul3A = arith.constant 2 : i32
    %mul3A_0 = arith.muli %arg1, %mul3A : i32
    %add3A = arith.addi %mul3A_0, %arg0 : i32
    %mul3A_1 = arith.constant 2304 : i32
    %mul3A_2 = arith.muli %add3A, %mul3A_1 : i32
    %dma_start3A = tpu.memref_slice %arg2[%mul3A_2] : memref<73728xf32, #tpu.memory_space<hbm>> -> memref<2304xf32, #tpu.memory_space<hbm>>
    %dma_start3A_3 = tpu.memref_slice %arg2[%mul3A_2] : memref<73728xf32, #tpu.memory_space<hbm>> -> memref<2304xf32, #tpu.memory_space<hbm>>
    tpu.enqueue_dma source(%dma_start3A_3 : memref<2304xf32, #tpu.memory_space<hbm>>) target(%arg6 : memref<2304xf32, #tpu.memory_space<vmem>>) target_semaphore(%arg10 : memref<!tpu.dma_semaphore, #tpu.memory_space<semaphore_mem>>)
    tpu.enqueue_dma source(%arg3 : memref<13824xi32, #tpu.memory_space<hbm>>) target(%arg7 : memref<13824xi32, #tpu.memory_space<vmem>>) target_semaphore(%arg10 : memref<!tpu.dma_semaphore, #tpu.memory_space<semaphore_mem>>)
    tpu.enqueue_dma source(%arg4 : memref<13824xi32, #tpu.memory_space<hbm>>) target(%arg8 : memref<13824xi32, #tpu.memory_space<vmem>>) target_semaphore(%arg10 : memref<!tpu.dma_semaphore, #tpu.memory_space<semaphore_mem>>)
    %mul3A_4 = arith.constant 2304 : i32
    %mul3A_5 = arith.muli %add3A, %mul3A_4 : i32
    %dma_wait3A = tpu.memref_slice %arg2[%mul3A_5] : memref<73728xf32, #tpu.memory_space<hbm>> -> memref<2304xf32, #tpu.memory_space<hbm>>
    %dma_wait3A_6 = tpu.memref_slice %arg2[%mul3A_5] : memref<73728xf32, #tpu.memory_space<hbm>> -> memref<2304xf32, #tpu.memory_space<hbm>>
    tpu.wait_dma2 semaphore(%arg10 : memref<!tpu.dma_semaphore, #tpu.memory_space<semaphore_mem>>) src(%dma_wait3A_6 : memref<2304xf32, #tpu.memory_space<hbm>>) dst(%arg6 : memref<2304xf32, #tpu.memory_space<vmem>>)
    tpu.wait_dma2 semaphore(%arg10 : memref<!tpu.dma_semaphore, #tpu.memory_space<semaphore_mem>>) src(%arg3 : memref<13824xi32, #tpu.memory_space<hbm>>) dst(%arg7 : memref<13824xi32, #tpu.memory_space<vmem>>)
    tpu.wait_dma2 semaphore(%arg10 : memref<!tpu.dma_semaphore, #tpu.memory_space<semaphore_mem>>) src(%arg4 : memref<13824xi32, #tpu.memory_space<hbm>>) dst(%arg8 : memref<13824xi32, #tpu.memory_space<vmem>>)
    %scan3A = arith.constant 0 : i32
    %scan3A_7 = arith.constant 0 : i32
    %scan3A_8 = arith.constant 16 : i32
    %scan3A_9 = arith.addi %scan3A_7, %scan3A_8 : i32
    %scan3A_10 = arith.constant 1 : i32
    %scan3A_11 = scf.for %scan3A_76 = %scan3A_7 to %scan3A_9 step %scan3A_10 iter_args(%scan3A_77 = %scan3A) -> (i32)  : i32 {
      %mul3A_78 = arith.constant 576 : i32
      %mul3A_79 = arith.muli %scan3A_76, %mul3A_78 : i32
      %mul3A_80 = arith.constant 576 : i32
      %mul3A_81 = arith.muli %scan3A_76, %mul3A_80 : i32
      %add3A_82 = arith.constant 0 : i32
      %add3A_83 = arith.addi %mul3A_81, %add3A_82 : i32
      %add3A_84 = arith.constant 16 : i32
      %add3A_85 = arith.addi %mul3A_81, %add3A_84 : i32
      %add3A_86 = arith.constant 32 : i32
      %add3A_87 = arith.addi %mul3A_81, %add3A_86 : i32
      %add3A_88 = arith.constant 48 : i32
      %add3A_89 = arith.addi %mul3A_81, %add3A_88 : i32
      %add3A_90 = arith.constant 64 : i32
      %add3A_91 = arith.addi %mul3A_81, %add3A_90 : i32
      %add3A_92 = arith.constant 80 : i32
      %add3A_93 = arith.addi %mul3A_81, %add3A_92 : i32
      %add3A_94 = arith.constant 96 : i32
      %add3A_95 = arith.addi %mul3A_81, %add3A_94 : i32
      %add3A_96 = arith.constant 112 : i32
      %add3A_97 = arith.addi %mul3A_81, %add3A_96 : i32
      %add3A_98 = arith.constant 128 : i32
      %add3A_99 = arith.addi %mul3A_81, %add3A_98 : i32
      %add3A_100 = arith.constant 144 : i32
      %add3A_101 = arith.addi %mul3A_81, %add3A_100 : i32
      %add3A_102 = arith.constant 160 : i32
      %add3A_103 = arith.addi %mul3A_81, %add3A_102 : i32
      %add3A_104 = arith.constant 176 : i32
      %add3A_105 = arith.addi %mul3A_81, %add3A_104 : i32
      %add3A_106 = arith.constant 192 : i32
      %add3A_107 = arith.addi %mul3A_81, %add3A_106 : i32
      %add3A_108 = arith.constant 208 : i32
      %add3A_109 = arith.addi %mul3A_81, %add3A_108 : i32
      %add3A_110 = arith.constant 224 : i32
      %add3A_111 = arith.addi %mul3A_81, %add3A_110 : i32
      %add3A_112 = arith.constant 240 : i32
      %add3A_113 = arith.addi %mul3A_81, %add3A_112 : i32
      %add3A_114 = arith.constant 256 : i32
      %add3A_115 = arith.addi %mul3A_81, %add3A_114 : i32
      %add3A_116 = arith.constant 272 : i32
      %add3A_117 = arith.addi %mul3A_81, %add3A_116 : i32
      %add3A_118 = arith.constant 288 : i32
      %add3A_119 = arith.addi %mul3A_81, %add3A_118 : i32
      %add3A_120 = arith.constant 304 : i32
      %add3A_121 = arith.addi %mul3A_81, %add3A_120 : i32
      %add3A_122 = arith.constant 320 : i32
      %add3A_123 = arith.addi %mul3A_81, %add3A_122 : i32
      %add3A_124 = arith.constant 336 : i32
      %add3A_125 = arith.addi %mul3A_81, %add3A_124 : i32
      %add3A_126 = arith.constant 352 : i32
      %add3A_127 = arith.addi %mul3A_81, %add3A_126 : i32
      %add3A_128 = arith.constant 368 : i32
      %add3A_129 = arith.addi %mul3A_81, %add3A_128 : i32
      %add3A_130 = arith.constant 384 : i32
      %add3A_131 = arith.addi %mul3A_81, %add3A_130 : i32
      %add3A_132 = arith.constant 400 : i32
      %add3A_133 = arith.addi %mul3A_81, %add3A_132 : i32
      %add3A_134 = arith.constant 416 : i32
      %add3A_135 = arith.addi %mul3A_81, %add3A_134 : i32
      %add3A_136 = arith.constant 432 : i32
      %add3A_137 = arith.addi %mul3A_81, %add3A_136 : i32
      %add3A_138 = arith.constant 448 : i32
      %add3A_139 = arith.addi %mul3A_81, %add3A_138 : i32
      %add3A_140 = arith.constant 464 : i32
      %add3A_141 = arith.addi %mul3A_81, %add3A_140 : i32
      %add3A_142 = arith.constant 480 : i32
      %add3A_143 = arith.addi %mul3A_81, %add3A_142 : i32
      %add3A_144 = arith.constant 496 : i32
      %add3A_145 = arith.addi %mul3A_81, %add3A_144 : i32
      %add3A_146 = arith.constant 512 : i32
      %add3A_147 = arith.addi %mul3A_81, %add3A_146 : i32
      %add3A_148 = arith.constant 528 : i32
      %add3A_149 = arith.addi %mul3A_81, %add3A_148 : i32
      %add3A_150 = arith.constant 544 : i32
      %add3A_151 = arith.addi %mul3A_81, %add3A_150 : i32
      %add3A_152 = arith.constant 560 : i32
      %add3A_153 = arith.addi %mul3A_81, %add3A_152 : i32
      %add3A_154 = arith.constant 24 : i32
      %add3A_155 = arith.addi %mul3A_79, %add3A_154 : i32
      %add3A_156 = arith.constant 0 : i32
      %add3A_157 = arith.addi %add3A_155, %add3A_156 : i32
      %add3A_158 = arith.constant 24 : i32
      %add3A_159 = arith.addi %mul3A_79, %add3A_158 : i32
      %add3A_160 = arith.constant 16 : i32
      %add3A_161 = arith.addi %add3A_159, %add3A_160 : i32
      %add3A_162 = arith.constant 24 : i32
      %add3A_163 = arith.addi %mul3A_79, %add3A_162 : i32
      %add3A_164 = arith.constant 32 : i32
      %add3A_165 = arith.addi %add3A_163, %add3A_164 : i32
      %add3A_166 = arith.constant 24 : i32
      %add3A_167 = arith.addi %mul3A_79, %add3A_166 : i32
      %add3A_168 = arith.constant 48 : i32
      %add3A_169 = arith.addi %add3A_167, %add3A_168 : i32
      %add3A_170 = arith.constant 24 : i32
      %add3A_171 = arith.addi %mul3A_79, %add3A_170 : i32
      %add3A_172 = arith.constant 64 : i32
      %add3A_173 = arith.addi %add3A_171, %add3A_172 : i32
      %add3A_174 = arith.constant 24 : i32
      %add3A_175 = arith.addi %mul3A_79, %add3A_174 : i32
      %add3A_176 = arith.constant 80 : i32
      %add3A_177 = arith.addi %add3A_175, %add3A_176 : i32
      %add3A_178 = arith.constant 24 : i32
      %add3A_179 = arith.addi %mul3A_79, %add3A_178 : i32
      %add3A_180 = arith.constant 96 : i32
      %add3A_181 = arith.addi %add3A_179, %add3A_180 : i32
      %add3A_182 = arith.constant 24 : i32
      %add3A_183 = arith.addi %mul3A_79, %add3A_182 : i32
      %add3A_184 = arith.constant 112 : i32
      %add3A_185 = arith.addi %add3A_183, %add3A_184 : i32
      %add3A_186 = arith.constant 24 : i32
      %add3A_187 = arith.addi %mul3A_79, %add3A_186 : i32
      %add3A_188 = arith.constant 128 : i32
      %add3A_189 = arith.addi %add3A_187, %add3A_188 : i32
      %add3A_190 = arith.constant 24 : i32
      %add3A_191 = arith.addi %mul3A_79, %add3A_190 : i32
      %add3A_192 = arith.constant 144 : i32
      %add3A_193 = arith.addi %add3A_191, %add3A_192 : i32
      %add3A_194 = arith.constant 24 : i32
      %add3A_195 = arith.addi %mul3A_79, %add3A_194 : i32
      %add3A_196 = arith.constant 160 : i32
      %add3A_197 = arith.addi %add3A_195, %add3A_196 : i32
      %add3A_198 = arith.constant 24 : i32
      %add3A_199 = arith.addi %mul3A_79, %add3A_198 : i32
      %add3A_200 = arith.constant 176 : i32
      %add3A_201 = arith.addi %add3A_199, %add3A_200 : i32
      %add3A_202 = arith.constant 24 : i32
      %add3A_203 = arith.addi %mul3A_79, %add3A_202 : i32
      %add3A_204 = arith.constant 192 : i32
      %add3A_205 = arith.addi %add3A_203, %add3A_204 : i32
      %add3A_206 = arith.constant 24 : i32
      %add3A_207 = arith.addi %mul3A_79, %add3A_206 : i32
      %add3A_208 = arith.constant 208 : i32
      %add3A_209 = arith.addi %add3A_207, %add3A_208 : i32
      %add3A_210 = arith.constant 24 : i32
      %add3A_211 = arith.addi %mul3A_79, %add3A_210 : i32
      %add3A_212 = arith.constant 224 : i32
      %add3A_213 = arith.addi %add3A_211, %add3A_212 : i32
      %add3A_214 = arith.constant 24 : i32
      %add3A_215 = arith.addi %mul3A_79, %add3A_214 : i32
      %add3A_216 = arith.constant 240 : i32
      %add3A_217 = arith.addi %add3A_215, %add3A_216 : i32
      %add3A_218 = arith.constant 24 : i32
      %add3A_219 = arith.addi %mul3A_79, %add3A_218 : i32
      %add3A_220 = arith.constant 256 : i32
      %add3A_221 = arith.addi %add3A_219, %add3A_220 : i32
      %add3A_222 = arith.constant 24 : i32
      %add3A_223 = arith.addi %mul3A_79, %add3A_222 : i32
      %add3A_224 = arith.constant 272 : i32
      %add3A_225 = arith.addi %add3A_223, %add3A_224 : i32
      %add3A_226 = arith.constant 24 : i32
      %add3A_227 = arith.addi %mul3A_79, %add3A_226 : i32
      %add3A_228 = arith.constant 288 : i32
      %add3A_229 = arith.addi %add3A_227, %add3A_228 : i32
      %add3A_230 = arith.constant 24 : i32
      %add3A_231 = arith.addi %mul3A_79, %add3A_230 : i32
      %add3A_232 = arith.constant 304 : i32
      %add3A_233 = arith.addi %add3A_231, %add3A_232 : i32
      %add3A_234 = arith.constant 24 : i32
      %add3A_235 = arith.addi %mul3A_79, %add3A_234 : i32
      %add3A_236 = arith.constant 320 : i32
      %add3A_237 = arith.addi %add3A_235, %add3A_236 : i32
      %add3A_238 = arith.constant 24 : i32
      %add3A_239 = arith.addi %mul3A_79, %add3A_238 : i32
      %add3A_240 = arith.constant 336 : i32
      %add3A_241 = arith.addi %add3A_239, %add3A_240 : i32
      %add3A_242 = arith.constant 24 : i32
      %add3A_243 = arith.addi %mul3A_79, %add3A_242 : i32
      %add3A_244 = arith.constant 352 : i32
      %add3A_245 = arith.addi %add3A_243, %add3A_244 : i32
      %add3A_246 = arith.constant 24 : i32
      %add3A_247 = arith.addi %mul3A_79, %add3A_246 : i32
      %add3A_248 = arith.constant 368 : i32
      %add3A_249 = arith.addi %add3A_247, %add3A_248 : i32
      %add3A_250 = arith.constant 24 : i32
      %add3A_251 = arith.addi %mul3A_79, %add3A_250 : i32
      %add3A_252 = arith.constant 384 : i32
      %add3A_253 = arith.addi %add3A_251, %add3A_252 : i32
      %add3A_254 = arith.constant 24 : i32
      %add3A_255 = arith.addi %mul3A_79, %add3A_254 : i32
      %add3A_256 = arith.constant 400 : i32
      %add3A_257 = arith.addi %add3A_255, %add3A_256 : i32
      %add3A_258 = arith.constant 24 : i32
      %add3A_259 = arith.addi %mul3A_79, %add3A_258 : i32
      %add3A_260 = arith.constant 416 : i32
      %add3A_261 = arith.addi %add3A_259, %add3A_260 : i32
      %add3A_262 = arith.constant 24 : i32
      %add3A_263 = arith.addi %mul3A_79, %add3A_262 : i32
      %add3A_264 = arith.constant 432 : i32
      %add3A_265 = arith.addi %add3A_263, %add3A_264 : i32
      %add3A_266 = arith.constant 24 : i32
      %add3A_267 = arith.addi %mul3A_79, %add3A_266 : i32
      %add3A_268 = arith.constant 448 : i32
      %add3A_269 = arith.addi %add3A_267, %add3A_268 : i32
      %add3A_270 = arith.constant 24 : i32
      %add3A_271 = arith.addi %mul3A_79, %add3A_270 : i32
      %add3A_272 = arith.constant 464 : i32
      %add3A_273 = arith.addi %add3A_271, %add3A_272 : i32
      %add3A_274 = arith.constant 24 : i32
      %add3A_275 = arith.addi %mul3A_79, %add3A_274 : i32
      %add3A_276 = arith.constant 480 : i32
      %add3A_277 = arith.addi %add3A_275, %add3A_276 : i32
      %add3A_278 = arith.constant 24 : i32
      %add3A_279 = arith.addi %mul3A_79, %add3A_278 : i32
      %add3A_280 = arith.constant 496 : i32
      %add3A_281 = arith.addi %add3A_279, %add3A_280 : i32
      %add3A_282 = arith.constant 24 : i32
      %add3A_283 = arith.addi %mul3A_79, %add3A_282 : i32
      %add3A_284 = arith.constant 512 : i32
      %add3A_285 = arith.addi %add3A_283, %add3A_284 : i32
      %add3A_286 = arith.constant 24 : i32
      %add3A_287 = arith.addi %mul3A_79, %add3A_286 : i32
      %add3A_288 = arith.constant 528 : i32
      %add3A_289 = arith.addi %add3A_287, %add3A_288 : i32
      %add3A_290 = arith.constant 576 : i32
      %add3A_291 = arith.addi %mul3A_79, %add3A_290 : i32
      %sub3A = arith.constant 16 : i32
      %sub3A_292 = arith.subi %add3A_291, %sub3A : i32
      %get3A = arith.index_cast %add3A_83 : i32 to index
      %get3A_293 = tpu.vector_load %arg8[%get3A] {strides = array<i32>} : memref<13824xi32, #tpu.memory_space<vmem>>, vector<16xi32>,
      %gather3A = tpu.vector_load_idx %arg6[%get3A_293] : memref<2304xf32, #tpu.memory_space<vmem>>[vector<16xi32>], vector<16xf32>,
      %get3A_294 = arith.index_cast %add3A_85 : i32 to index
      %get3A_295 = tpu.vector_load %arg8[%get3A_294] {strides = array<i32>} : memref<13824xi32, #tpu.memory_space<vmem>>, vector<16xi32>,
      %gather3A_296 = tpu.vector_load_idx %arg6[%get3A_295] : memref<2304xf32, #tpu.memory_space<vmem>>[vector<16xi32>], vector<16xf32>,
      %get3A_297 = arith.index_cast %add3A_87 : i32 to index
      %get3A_298 = tpu.vector_load %arg8[%get3A_297] {strides = array<i32>} : memref<13824xi32, #tpu.memory_space<vmem>>, vector<16xi32>,
      %gather3A_299 = tpu.vector_load_idx %arg6[%get3A_298] : memref<2304xf32, #tpu.memory_space<vmem>>[vector<16xi32>], vector<16xf32>,
      %get3A_300 = arith.index_cast %add3A_89 : i32 to index
      %get3A_301 = tpu.vector_load %arg8[%get3A_300] {strides = array<i32>} : memref<13824xi32, #tpu.memory_space<vmem>>, vector<16xi32>,
      %gather3A_302 = tpu.vector_load_idx %arg6[%get3A_301] : memref<2304xf32, #tpu.memory_space<vmem>>[vector<16xi32>], vector<16xf32>,
      %get3A_303 = arith.index_cast %add3A_91 : i32 to index
      %get3A_304 = tpu.vector_load %arg8[%get3A_303] {strides = array<i32>} : memref<13824xi32, #tpu.memory_space<vmem>>, vector<16xi32>,
      %gather3A_305 = tpu.vector_load_idx %arg6[%get3A_304] : memref<2304xf32, #tpu.memory_space<vmem>>[vector<16xi32>], vector<16xf32>,
      %get3A_306 = arith.index_cast %add3A_93 : i32 to index
      %get3A_307 = tpu.vector_load %arg8[%get3A_306] {strides = array<i32>} : memref<13824xi32, #tpu.memory_space<vmem>>, vector<16xi32>,
      %gather3A_308 = tpu.vector_load_idx %arg6[%get3A_307] : memref<2304xf32, #tpu.memory_space<vmem>>[vector<16xi32>], vector<16xf32>,
      %get3A_309 = arith.index_cast %add3A_95 : i32 to index
      %get3A_310 = tpu.vector_load %arg8[%get3A_309] {strides = array<i32>} : memref<13824xi32, #tpu.memory_space<vmem>>, vector<16xi32>,
      %gather3A_311 = tpu.vector_load_idx %arg6[%get3A_310] : memref<2304xf32, #tpu.memory_space<vmem>>[vector<16xi32>], vector<16xf32>,
      %get3A_312 = arith.index_cast %add3A_97 : i32 to index
      %get3A_313 = tpu.vector_load %arg8[%get3A_312] {strides = array<i32>} : memref<13824xi32, #tpu.memory_space<vmem>>, vector<16xi32>,
      %gather3A_314 = tpu.vector_load_idx %arg6[%get3A_313] : memref<2304xf32, #tpu.memory_space<vmem>>[vector<16xi32>], vector<16xf32>,
      %get3A_315 = arith.index_cast %add3A_99 : i32 to index
      %get3A_316 = tpu.vector_load %arg8[%get3A_315] {strides = array<i32>} : memref<13824xi32, #tpu.memory_space<vmem>>, vector<16xi32>,
      %gather3A_317 = tpu.vector_load_idx %arg6[%get3A_316] : memref<2304xf32, #tpu.memory_space<vmem>>[vector<16xi32>], vector<16xf32>,
      %get3A_318 = arith.index_cast %add3A_101 : i32 to index
      %get3A_319 = tpu.vector_load %arg8[%get3A_318] {strides = array<i32>} : memref<13824xi32, #tpu.memory_space<vmem>>, vector<16xi32>,
      %gather3A_320 = tpu.vector_load_idx %arg6[%get3A_319] : memref<2304xf32, #tpu.memory_space<vmem>>[vector<16xi32>], vector<16xf32>,
      %get3A_321 = arith.index_cast %add3A_103 : i32 to index
      %get3A_322 = tpu.vector_load %arg8[%get3A_321] {strides = array<i32>} : memref<13824xi32, #tpu.memory_space<vmem>>, vector<16xi32>,
      %gather3A_323 = tpu.vector_load_idx %arg6[%get3A_322] : memref<2304xf32, #tpu.memory_space<vmem>>[vector<16xi32>], vector<16xf32>,
      %get3A_324 = arith.index_cast %add3A_105 : i32 to index
      %get3A_325 = tpu.vector_load %arg8[%get3A_324] {strides = array<i32>} : memref<13824xi32, #tpu.memory_space<vmem>>, vector<16xi32>,
      %gather3A_326 = tpu.vector_load_idx %arg6[%get3A_325] : memref<2304xf32, #tpu.memory_space<vmem>>[vector<16xi32>], vector<16xf32>,
      %swap3A = arith.index_cast %scan3A_76 : i32 to index
      %swap3A_327 = arith.constant 0 : index
      %swap3A_328 = tpu.vector_load %arg9[%swap3A, %swap3A_327] {strides = array<i32>} : memref<24x1152xf32, #tpu.memory_space<vmem>>, vector<16xf32>,
      tpu.vector_store %arg9[%swap3A, %swap3A_327], %gather3A {strides = array<i32>} : memref<24x1152xf32, #tpu.memory_space<vmem>>, vector<16xf32>,
      %swap3A_329 = arith.index_cast %scan3A_76 : i32 to index
      %swap3A_330 = arith.constant 16 : index
      %swap3A_331 = tpu.vector_load %arg9[%swap3A_329, %swap3A_330] {strides = array<i32>} : memref<24x1152xf32, #tpu.memory_space<vmem>>, vector<16xf32>,
      tpu.vector_store %arg9[%swap3A_329, %swap3A_330], %gather3A_296 {strides = array<i32>} : memref<24x1152xf32, #tpu.memory_space<vmem>>, vector<16xf32>,
      %swap3A_332 = arith.index_cast %scan3A_76 : i32 to index
      %swap3A_333 = arith.constant 32 : index
      %swap3A_334 = tpu.vector_load %arg9[%swap3A_332, %swap3A_333] {strides = array<i32>} : memref<24x1152xf32, #tpu.memory_space<vmem>>, vector<16xf32>,
      tpu.vector_store %arg9[%swap3A_332, %swap3A_333], %gather3A_299 {strides = array<i32>} : memref<24x1152xf32, #tpu.memory_space<vmem>>, vector<16xf32>,
      %swap3A_335 = arith.index_cast %scan3A_76 : i32 to index
      %swap3A_336 = arith.constant 48 : index
      %swap3A_337 = tpu.vector_load %arg9[%swap3A_335, %swap3A_336] {strides = array<i32>} : memref<24x1152xf32, #tpu.memory_space<vmem>>, vector<16xf32>,
      tpu.vector_store %arg9[%swap3A_335, %swap3A_336], %gather3A_302 {strides = array<i32>} : memref<24x1152xf32, #tpu.memory_space<vmem>>, vector<16xf32>,
      %swap3A_338 = arith.index_cast %scan3A_76 : i32 to index
      %swap3A_339 = arith.constant 64 : index
      %swap3A_340 = tpu.vector_load %arg9[%swap3A_338, %swap3A_339] {strides = array<i32>} : memref<24x1152xf32, #tpu.memory_space<vmem>>, vector<16xf32>,
      tpu.vector_store %arg9[%swap3A_338, %swap3A_339], %gather3A_305 {strides = array<i32>} : memref<24x1152xf32, #tpu.memory_space<vmem>>, vector<16xf32>,
      %swap3A_341 = arith.index_cast %scan3A_76 : i32 to index
      %swap3A_342 = arith.constant 80 : index
      %swap3A_343 = tpu.vector_load %arg9[%swap3A_341, %swap3A_342] {strides = array<i32>} : memref<24x1152xf32, #tpu.memory_space<vmem>>, vector<16xf32>,
      tpu.vector_store %arg9[%swap3A_341, %swap3A_342], %gather3A_308 {strides = array<i32>} : memref<24x1152xf32, #tpu.memory_space<vmem>>, vector<16xf32>,
      %swap3A_344 = arith.index_cast %scan3A_76 : i32 to index
      %swap3A_345 = arith.constant 96 : index
      %swap3A_346 = tpu.vector_load %arg9[%swap3A_344, %swap3A_345] {strides = array<i32>} : memref<24x1152xf32, #tpu.memory_space<vmem>>, vector<16xf32>,
      tpu.vector_store %arg9[%swap3A_344, %swap3A_345], %gather3A_311 {strides = array<i32>} : memref<24x1152xf32, #tpu.memory_space<vmem>>, vector<16xf32>,
      %swap3A_347 = arith.index_cast %scan3A_76 : i32 to index
      %swap3A_348 = arith.constant 112 : index
      %swap3A_349 = tpu.vector_load %arg9[%swap3A_347, %swap3A_348] {strides = array<i32>} : memref<24x1152xf32, #tpu.memory_space<vmem>>, vector<16xf32>,
      tpu.vector_store %arg9[%swap3A_347, %swap3A_348], %gather3A_314 {strides = array<i32>} : memref<24x1152xf32, #tpu.memory_space<vmem>>, vector<16xf32>,
      %swap3A_350 = arith.index_cast %scan3A_76 : i32 to index
      %swap3A_351 = arith.constant 128 : index
      %swap3A_352 = tpu.vector_load %arg9[%swap3A_350, %swap3A_351] {strides = array<i32>} : memref<24x1152xf32, #tpu.memory_space<vmem>>, vector<16xf32>,
      tpu.vector_store %arg9[%swap3A_350, %swap3A_351], %gather3A_317 {strides = array<i32>} : memref<24x1152xf32, #tpu.memory_space<vmem>>, vector<16xf32>,
      %swap3A_353 = arith.index_cast %scan3A_76 : i32 to index
      %swap3A_354 = arith.constant 144 : index
      %swap3A_355 = tpu.vector_load %arg9[%swap3A_353, %swap3A_354] {strides = array<i32>} : memref<24x1152xf32, #tpu.memory_space<vmem>>, vector<16xf32>,
      tpu.vector_store %arg9[%swap3A_353, %swap3A_354], %gather3A_320 {strides = array<i32>} : memref<24x1152xf32, #tpu.memory_space<vmem>>, vector<16xf32>,
      %swap3A_356 = arith.index_cast %scan3A_76 : i32 to index
      %swap3A_357 = arith.constant 160 : index
      %swap3A_358 = tpu.vector_load %arg9[%swap3A_356, %swap3A_357] {strides = array<i32>} : memref<24x1152xf32, #tpu.memory_space<vmem>>, vector<16xf32>,
      tpu.vector_store %arg9[%swap3A_356, %swap3A_357], %gather3A_323 {strides = array<i32>} : memref<24x1152xf32, #tpu.memory_space<vmem>>, vector<16xf32>,
      %swap3A_359 = arith.index_cast %scan3A_76 : i32 to index
      %swap3A_360 = arith.constant 176 : index
      %swap3A_361 = tpu.vector_load %arg9[%swap3A_359, %swap3A_360] {strides = array<i32>} : memref<24x1152xf32, #tpu.memory_space<vmem>>, vector<16xf32>,
      tpu.vector_store %arg9[%swap3A_359, %swap3A_360], %gather3A_326 {strides = array<i32>} : memref<24x1152xf32, #tpu.memory_space<vmem>>, vector<16xf32>,
      %get3A_362 = arith.index_cast %add3A_107 : i32 to index
      %get3A_363 = tpu.vector_load %arg8[%get3A_362] {strides = array<i32>} : memref<13824xi32, #tpu.memory_space<vmem>>, vector<16xi32>,
      %gather3A_364 = tpu.vector_load_idx %arg6[%get3A_363] : memref<2304xf32, #tpu.memory_space<vmem>>[vector<16xi32>], vector<16xf32>,
      %get3A_365 = arith.index_cast %add3A_109 : i32 to index
      %get3A_366 = tpu.vector_load %arg8[%get3A_365] {strides = array<i32>} : memref<13824xi32, #tpu.memory_space<vmem>>, vector<16xi32>,
      %gather3A_367 = tpu.vector_load_idx %arg6[%get3A_366] : memref<2304xf32, #tpu.memory_space<vmem>>[vector<16xi32>], vector<16xf32>,
      %get3A_368 = arith.index_cast %add3A_111 : i32 to index
      %get3A_369 = tpu.vector_load %arg8[%get3A_368] {strides = array<i32>} : memref<13824xi32, #tpu.memory_space<vmem>>, vector<16xi32>,
      %gather3A_370 = tpu.vector_load_idx %arg6[%get3A_369] : memref<2304xf32, #tpu.memory_space<vmem>>[vector<16xi32>], vector<16xf32>,
      %get3A_371 = arith.index_cast %add3A_113 : i32 to index
      %get3A_372 = tpu.vector_load %arg8[%get3A_371] {strides = array<i32>} : memref<13824xi32, #tpu.memory_space<vmem>>, vector<16xi32>,
      %gather3A_373 = tpu.vector_load_idx %arg6[%get3A_372] : memref<2304xf32, #tpu.memory_space<vmem>>[vector<16xi32>], vector<16xf32>,
      %get3A_374 = arith.index_cast %add3A_115 : i32 to index
      %get3A_375 = tpu.vector_load %arg8[%get3A_374] {strides = array<i32>} : memref<13824xi32, #tpu.memory_space<vmem>>, vector<16xi32>,
      %gather3A_376 = tpu.vector_load_idx %arg6[%get3A_375] : memref<2304xf32, #tpu.memory_space<vmem>>[vector<16xi32>], vector<16xf32>,
      %get3A_377 = arith.index_cast %add3A_117 : i32 to index
      %get3A_378 = tpu.vector_load %arg8[%get3A_377] {strides = array<i32>} : memref<13824xi32, #tpu.memory_space<vmem>>, vector<16xi32>,
      %gather3A_379 = tpu.vector_load_idx %arg6[%get3A_378] : memref<2304xf32, #tpu.memory_space<vmem>>[vector<16xi32>], vector<16xf32>,
      %get3A_380 = arith.index_cast %add3A_119 : i32 to index
      %get3A_381 = tpu.vector_load %arg8[%get3A_380] {strides = array<i32>} : memref<13824xi32, #tpu.memory_space<vmem>>, vector<16xi32>,
      %gather3A_382 = tpu.vector_load_idx %arg6[%get3A_381] : memref<2304xf32, #tpu.memory_space<vmem>>[vector<16xi32>], vector<16xf32>,
      %get3A_383 = arith.index_cast %add3A_121 : i32 to index
      %get3A_384 = tpu.vector_load %arg8[%get3A_383] {strides = array<i32>} : memref<13824xi32, #tpu.memory_space<vmem>>, vector<16xi32>,
      %gather3A_385 = tpu.vector_load_idx %arg6[%get3A_384] : memref<2304xf32, #tpu.memory_space<vmem>>[vector<16xi32>], vector<16xf32>,
      %get3A_386 = arith.index_cast %add3A_123 : i32 to index
      %get3A_387 = tpu.vector_load %arg8[%get3A_386] {strides = array<i32>} : memref<13824xi32, #tpu.memory_space<vmem>>, vector<16xi32>,
      %gather3A_388 = tpu.vector_load_idx %arg6[%get3A_387] : memref<2304xf32, #tpu.memory_space<vmem>>[vector<16xi32>], vector<16xf32>,
      %get3A_389 = arith.index_cast %add3A_125 : i32 to index
      %get3A_390 = tpu.vector_load %arg8[%get3A_389] {strides = array<i32>} : memref<13824xi32, #tpu.memory_space<vmem>>, vector<16xi32>,
      %gather3A_391 = tpu.vector_load_idx %arg6[%get3A_390] : memref<2304xf32, #tpu.memory_space<vmem>>[vector<16xi32>], vector<16xf32>,
      %get3A_392 = arith.index_cast %add3A_127 : i32 to index
      %get3A_393 = tpu.vector_load %arg8[%get3A_392] {strides = array<i32>} : memref<13824xi32, #tpu.memory_space<vmem>>, vector<16xi32>,
      %gather3A_394 = tpu.vector_load_idx %arg6[%get3A_393] : memref<2304xf32, #tpu.memory_space<vmem>>[vector<16xi32>], vector<16xf32>,
      %get3A_395 = arith.index_cast %add3A_129 : i32 to index
      %get3A_396 = tpu.vector_load %arg8[%get3A_395] {strides = array<i32>} : memref<13824xi32, #tpu.memory_space<vmem>>, vector<16xi32>,
      %gather3A_397 = tpu.vector_load_idx %arg6[%get3A_396] : memref<2304xf32, #tpu.memory_space<vmem>>[vector<16xi32>], vector<16xf32>,
      %swap3A_398 = arith.index_cast %scan3A_76 : i32 to index
      %swap3A_399 = arith.constant 192 : index
      %swap3A_400 = tpu.vector_load %arg9[%swap3A_398, %swap3A_399] {strides = array<i32>} : memref<24x1152xf32, #tpu.memory_space<vmem>>, vector<16xf32>,
      tpu.vector_store %arg9[%swap3A_398, %swap3A_399], %gather3A_364 {strides = array<i32>} : memref<24x1152xf32, #tpu.memory_space<vmem>>, vector<16xf32>,
      %swap3A_401 = arith.index_cast %scan3A_76 : i32 to index
      %swap3A_402 = arith.constant 208 : index
      %swap3A_403 = tpu.vector_load %arg9[%swap3A_401, %swap3A_402] {strides = array<i32>} : memref<24x1152xf32, #tpu.memory_space<vmem>>, vector<16xf32>,
      tpu.vector_store %arg9[%swap3A_401, %swap3A_402], %gather3A_367 {strides = array<i32>} : memref<24x1152xf32, #tpu.memory_space<vmem>>, vector<16xf32>,
      %swap3A_404 = arith.index_cast %scan3A_76 : i32 to index
      %swap3A_405 = arith.constant 224 : index
      %swap3A_406 = tpu.vector_load %arg9[%swap3A_404, %swap3A_405] {strides = array<i32>} : memref<24x1152xf32, #tpu.memory_space<vmem>>, vector<16xf32>,
      tpu.vector_store %arg9[%swap3A_404, %swap3A_405], %gather3A_370 {strides = array<i32>} : memref<24x1152xf32, #tpu.memory_space<vmem>>, vector<16xf32>,
      %swap3A_407 = arith.index_cast %scan3A_76 : i32 to index
      %swap3A_408 = arith.constant 240 : index
      %swap3A_409 = tpu.vector_load %arg9[%swap3A_407, %swap3A_408] {strides = array<i32>} : memref<24x1152xf32, #tpu.memory_space<vmem>>, vector<16xf32>,
      tpu.vector_store %arg9[%swap3A_407, %swap3A_408], %gather3A_373 {strides = array<i32>} : memref<24x1152xf32, #tpu.memory_space<vmem>>, vector<16xf32>,
      %swap3A_410 = arith.index_cast %scan3A_76 : i32 to index
      %swap3A_411 = arith.constant 256 : index
      %swap3A_412 = tpu.vector_load %arg9[%swap3A_410, %swap3A_411] {strides = array<i32>} : memref<24x1152xf32, #tpu.memory_space<vmem>>, vector<16xf32>,
      tpu.vector_store %arg9[%swap3A_410, %swap3A_411], %gather3A_376 {strides = array<i32>} : memref<24x1152xf32, #tpu.memory_space<vmem>>, vector<16xf32>,
      %swap3A_413 = arith.index_cast %scan3A_76 : i32 to index
      %swap3A_414 = arith.constant 272 : index
      %swap3A_415 = tpu.vector_load %arg9[%swap3A_413, %swap3A_414] {strides = array<i32>} : memref<24x1152xf32, #tpu.memory_space<vmem>>, vector<16xf32>,
      tpu.vector_store %arg9[%swap3A_413, %swap3A_414], %gather3A_379 {strides = array<i32>} : memref<24x1152xf32, #tpu.memory_space<vmem>>, vector<16xf32>,
      %swap3A_416 = arith.index_cast %scan3A_76 : i32 to index
      %swap3A_417 = arith.constant 288 : index
      %swap3A_418 = tpu.vector_load %arg9[%swap3A_416, %swap3A_417] {strides = array<i32>} : memref<24x1152xf32, #tpu.memory_space<vmem>>, vector<16xf32>,
      tpu.vector_store %arg9[%swap3A_416, %swap3A_417], %gather3A_382 {strides = array<i32>} : memref<24x1152xf32, #tpu.memory_space<vmem>>, vector<16xf32>,
      %swap3A_419 = arith.index_cast %scan3A_76 : i32 to index
      %swap3A_420 = arith.constant 304 : index
      %swap3A_421 = tpu.vector_load %arg9[%swap3A_419, %swap3A_420] {strides = array<i32>} : memref<24x1152xf32, #tpu.memory_space<vmem>>, vector<16xf32>,
      tpu.vector_store %arg9[%swap3A_419, %swap3A_420], %gather3A_385 {strides = array<i32>} : memref<24x1152xf32, #tpu.memory_space<vmem>>, vector<16xf32>,
      %swap3A_422 = arith.index_cast %scan3A_76 : i32 to index
      %swap3A_423 = arith.constant 320 : index
      %swap3A_424 = tpu.vector_load %arg9[%swap3A_422, %swap3A_423] {strides = array<i32>} : memref<24x1152xf32, #tpu.memory_space<vmem>>, vector<16xf32>,
      tpu.vector_store %arg9[%swap3A_422, %swap3A_423], %gather3A_388 {strides = array<i32>} : memref<24x1152xf32, #tpu.memory_space<vmem>>, vector<16xf32>,
      %swap3A_425 = arith.index_cast %scan3A_76 : i32 to index
      %swap3A_426 = arith.constant 336 : index
      %swap3A_427 = tpu.vector_load %arg9[%swap3A_425, %swap3A_426] {strides = array<i32>} : memref<24x1152xf32, #tpu.memory_space<vmem>>, vector<16xf32>,
      tpu.vector_store %arg9[%swap3A_425, %swap3A_426], %gather3A_391 {strides = array<i32>} : memref<24x1152xf32, #tpu.memory_space<vmem>>, vector<16xf32>,
      %swap3A_428 = arith.index_cast %scan3A_76 : i32 to index
      %swap3A_429 = arith.constant 352 : index
      %swap3A_430 = tpu.vector_load %arg9[%swap3A_428, %swap3A_429] {strides = array<i32>} : memref<24x1152xf32, #tpu.memory_space<vmem>>, vector<16xf32>,
      tpu.vector_store %arg9[%swap3A_428, %swap3A_429], %gather3A_394 {strides = array<i32>} : memref<24x1152xf32, #tpu.memory_space<vmem>>, vector<16xf32>,
      %swap3A_431 = arith.index_cast %scan3A_76 : i32 to index
      %swap3A_432 = arith.constant 368 : index
      %swap3A_433 = tpu.vector_load %arg9[%swap3A_431, %swap3A_432] {strides = array<i32>} : memref<24x1152xf32, #tpu.memory_space<vmem>>, vector<16xf32>,
      tpu.vector_store %arg9[%swap3A_431, %swap3A_432], %gather3A_397 {strides = array<i32>} : memref<24x1152xf32, #tpu.memory_space<vmem>>, vector<16xf32>,
      %get3A_434 = arith.index_cast %add3A_131 : i32 to index
      %get3A_435 = tpu.vector_load %arg8[%get3A_434] {strides = array<i32>} : memref<13824xi32, #tpu.memory_space<vmem>>, vector<16xi32>,
      %gather3A_436 = tpu.vector_load_idx %arg6[%get3A_435] : memref<2304xf32, #tpu.memory_space<vmem>>[vector<16xi32>], vector<16xf32>,
      %get3A_437 = arith.index_cast %add3A_133 : i32 to index
      %get3A_438 = tpu.vector_load %arg8[%get3A_437] {strides = array<i32>} : memref<13824xi32, #tpu.memory_space<vmem>>, vector<16xi32>,
      %gather3A_439 = tpu.vector_load_idx %arg6[%get3A_438] : memref<2304xf32, #tpu.memory_space<vmem>>[vector<16xi32>], vector<16xf32>,
      %get3A_440 = arith.index_cast %add3A_135 : i32 to index
      %get3A_441 = tpu.vector_load %arg8[%get3A_440] {strides = array<i32>} : memref<13824xi32, #tpu.memory_space<vmem>>, vector<16xi32>,
      %gather3A_442 = tpu.vector_load_idx %arg6[%get3A_441] : memref<2304xf32, #tpu.memory_space<vmem>>[vector<16xi32>], vector<16xf32>,
      %get3A_443 = arith.index_cast %add3A_137 : i32 to index
      %get3A_444 = tpu.vector_load %arg8[%get3A_443] {strides = array<i32>} : memref<13824xi32, #tpu.memory_space<vmem>>, vector<16xi32>,
      %gather3A_445 = tpu.vector_load_idx %arg6[%get3A_444] : memref<2304xf32, #tpu.memory_space<vmem>>[vector<16xi32>], vector<16xf32>,
      %get3A_446 = arith.index_cast %add3A_139 : i32 to index
      %get3A_447 = tpu.vector_load %arg8[%get3A_446] {strides = array<i32>} : memref<13824xi32, #tpu.memory_space<vmem>>, vector<16xi32>,
      %gather3A_448 = tpu.vector_load_idx %arg6[%get3A_447] : memref<2304xf32, #tpu.memory_space<vmem>>[vector<16xi32>], vector<16xf32>,
      %get3A_449 = arith.index_cast %add3A_141 : i32 to index
      %get3A_450 = tpu.vector_load %arg8[%get3A_449] {strides = array<i32>} : memref<13824xi32, #tpu.memory_space<vmem>>, vector<16xi32>,
      %gather3A_451 = tpu.vector_load_idx %arg6[%get3A_450] : memref<2304xf32, #tpu.memory_space<vmem>>[vector<16xi32>], vector<16xf32>,
      %get3A_452 = arith.index_cast %add3A_143 : i32 to index
      %get3A_453 = tpu.vector_load %arg8[%get3A_452] {strides = array<i32>} : memref<13824xi32, #tpu.memory_space<vmem>>, vector<16xi32>,
      %gather3A_454 = tpu.vector_load_idx %arg6[%get3A_453] : memref<2304xf32, #tpu.memory_space<vmem>>[vector<16xi32>], vector<16xf32>,
      %get3A_455 = arith.index_cast %add3A_145 : i32 to index
      %get3A_456 = tpu.vector_load %arg8[%get3A_455] {strides = array<i32>} : memref<13824xi32, #tpu.memory_space<vmem>>, vector<16xi32>,
      %gather3A_457 = tpu.vector_load_idx %arg6[%get3A_456] : memref<2304xf32, #tpu.memory_space<vmem>>[vector<16xi32>], vector<16xf32>,
      %get3A_458 = arith.index_cast %add3A_147 : i32 to index
      %get3A_459 = tpu.vector_load %arg8[%get3A_458] {strides = array<i32>} : memref<13824xi32, #tpu.memory_space<vmem>>, vector<16xi32>,
      %gather3A_460 = tpu.vector_load_idx %arg6[%get3A_459] : memref<2304xf32, #tpu.memory_space<vmem>>[vector<16xi32>], vector<16xf32>,
      %get3A_461 = arith.index_cast %add3A_149 : i32 to index
      %get3A_462 = tpu.vector_load %arg8[%get3A_461] {strides = array<i32>} : memref<13824xi32, #tpu.memory_space<vmem>>, vector<16xi32>,
      %gather3A_463 = tpu.vector_load_idx %arg6[%get3A_462] : memref<2304xf32, #tpu.memory_space<vmem>>[vector<16xi32>], vector<16xf32>,
      %get3A_464 = arith.index_cast %add3A_151 : i32 to index
      %get3A_465 = tpu.vector_load %arg8[%get3A_464] {strides = array<i32>} : memref<13824xi32, #tpu.memory_space<vmem>>, vector<16xi32>,
      %gather3A_466 = tpu.vector_load_idx %arg6[%get3A_465] : memref<2304xf32, #tpu.memory_space<vmem>>[vector<16xi32>], vector<16xf32>,
      %get3A_467 = arith.index_cast %add3A_153 : i32 to index
      %get3A_468 = tpu.vector_load %arg8[%get3A_467] {strides = array<i32>} : memref<13824xi32, #tpu.memory_space<vmem>>, vector<16xi32>,
      %gather3A_469 = tpu.vector_load_idx %arg6[%get3A_468] : memref<2304xf32, #tpu.memory_space<vmem>>[vector<16xi32>], vector<16xf32>,
      %swap3A_470 = arith.index_cast %scan3A_76 : i32 to index
      %swap3A_471 = arith.constant 384 : index
      %swap3A_472 = tpu.vector_load %arg9[%swap3A_470, %swap3A_471] {strides = array<i32>} : memref<24x1152xf32, #tpu.memory_space<vmem>>, vector<16xf32>,
      tpu.vector_store %arg9[%swap3A_470, %swap3A_471], %gather3A_436 {strides = array<i32>} : memref<24x1152xf32, #tpu.memory_space<vmem>>, vector<16xf32>,
      %swap3A_473 = arith.index_cast %scan3A_76 : i32 to index
      %swap3A_474 = arith.constant 400 : index
      %swap3A_475 = tpu.vector_load %arg9[%swap3A_473, %swap3A_474] {strides = array<i32>} : memref<24x1152xf32, #tpu.memory_space<vmem>>, vector<16xf32>,
      tpu.vector_store %arg9[%swap3A_473, %swap3A_474], %gather3A_439 {strides = array<i32>} : memref<24x1152xf32, #tpu.memory_space<vmem>>, vector<16xf32>,
      %swap3A_476 = arith.index_cast %scan3A_76 : i32 to index
      %swap3A_477 = arith.constant 416 : index
      %swap3A_478 = tpu.vector_load %arg9[%swap3A_476, %swap3A_477] {strides = array<i32>} : memref<24x1152xf32, #tpu.memory_space<vmem>>, vector<16xf32>,
      tpu.vector_store %arg9[%swap3A_476, %swap3A_477], %gather3A_442 {strides = array<i32>} : memref<24x1152xf32, #tpu.memory_space<vmem>>, vector<16xf32>,
      %swap3A_479 = arith.index_cast %scan3A_76 : i32 to index
      %swap3A_480 = arith.constant 432 : index
      %swap3A_481 = tpu.vector_load %arg9[%swap3A_479, %swap3A_480] {strides = array<i32>} : memref<24x1152xf32, #tpu.memory_space<vmem>>, vector<16xf32>,
      tpu.vector_store %arg9[%swap3A_479, %swap3A_480], %gather3A_445 {strides = array<i32>} : memref<24x1152xf32, #tpu.memory_space<vmem>>, vector<16xf32>,
      %swap3A_482 = arith.index_cast %scan3A_76 : i32 to index
      %swap3A_483 = arith.constant 448 : index
      %swap3A_484 = tpu.vector_load %arg9[%swap3A_482, %swap3A_483] {strides = array<i32>} : memref<24x1152xf32, #tpu.memory_space<vmem>>, vector<16xf32>,
      tpu.vector_store %arg9[%swap3A_482, %swap3A_483], %gather3A_448 {strides = array<i32>} : memref<24x1152xf32, #tpu.memory_space<vmem>>, vector<16xf32>,
      %swap3A_485 = arith.index_cast %scan3A_76 : i32 to index
      %swap3A_486 = arith.constant 464 : index
      %swap3A_487 = tpu.vector_load %arg9[%swap3A_485, %swap3A_486] {strides = array<i32>} : memref<24x1152xf32, #tpu.memory_space<vmem>>, vector<16xf32>,
      tpu.vector_store %arg9[%swap3A_485, %swap3A_486], %gather3A_451 {strides = array<i32>} : memref<24x1152xf32, #tpu.memory_space<vmem>>, vector<16xf32>,
      %swap3A_488 = arith.index_cast %scan3A_76 : i32 to index
      %swap3A_489 = arith.constant 480 : index
      %swap3A_490 = tpu.vector_load %arg9[%swap3A_488, %swap3A_489] {strides = array<i32>} : memref<24x1152xf32, #tpu.memory_space<vmem>>, vector<16xf32>,
      tpu.vector_store %arg9[%swap3A_488, %swap3A_489], %gather3A_454 {strides = array<i32>} : memref<24x1152xf32, #tpu.memory_space<vmem>>, vector<16xf32>,
      %swap3A_491 = arith.index_cast %scan3A_76 : i32 to index
      %swap3A_492 = arith.constant 496 : index
      %swap3A_493 = tpu.vector_load %arg9[%swap3A_491, %swap3A_492] {strides = array<i32>} : memref<24x1152xf32, #tpu.memory_space<vmem>>, vector<16xf32>,
      tpu.vector_store %arg9[%swap3A_491, %swap3A_492], %gather3A_457 {strides = array<i32>} : memref<24x1152xf32, #tpu.memory_space<vmem>>, vector<16xf32>,
      %swap3A_494 = arith.index_cast %scan3A_76 : i32 to index
      %swap3A_495 = arith.constant 512 : index
      %swap3A_496 = tpu.vector_load %arg9[%swap3A_494, %swap3A_495] {strides = array<i32>} : memref<24x1152xf32, #tpu.memory_space<vmem>>, vector<16xf32>,
      tpu.vector_store %arg9[%swap3A_494, %swap3A_495], %gather3A_460 {strides = array<i32>} : memref<24x1152xf32, #tpu.memory_space<vmem>>, vector<16xf32>,
      %swap3A_497 = arith.index_cast %scan3A_76 : i32 to index
      %swap3A_498 = arith.constant 528 : index
      %swap3A_499 = tpu.vector_load %arg9[%swap3A_497, %swap3A_498] {strides = array<i32>} : memref<24x1152xf32, #tpu.memory_space<vmem>>, vector<16xf32>,
      tpu.vector_store %arg9[%swap3A_497, %swap3A_498], %gather3A_463 {strides = array<i32>} : memref<24x1152xf32, #tpu.memory_space<vmem>>, vector<16xf32>,
      %swap3A_500 = arith.index_cast %scan3A_76 : i32 to index
      %swap3A_501 = arith.constant 544 : index
      %swap3A_502 = tpu.vector_load %arg9[%swap3A_500, %swap3A_501] {strides = array<i32>} : memref<24x1152xf32, #tpu.memory_space<vmem>>, vector<16xf32>,
      tpu.vector_store %arg9[%swap3A_500, %swap3A_501], %gather3A_466 {strides = array<i32>} : memref<24x1152xf32, #tpu.memory_space<vmem>>, vector<16xf32>,
      %swap3A_503 = arith.index_cast %scan3A_76 : i32 to index
      %swap3A_504 = arith.constant 560 : index
      %swap3A_505 = tpu.vector_load %arg9[%swap3A_503, %swap3A_504] {strides = array<i32>} : memref<24x1152xf32, #tpu.memory_space<vmem>>, vector<16xf32>,
      tpu.vector_store %arg9[%swap3A_503, %swap3A_504], %gather3A_469 {strides = array<i32>} : memref<24x1152xf32, #tpu.memory_space<vmem>>, vector<16xf32>,
      %get3A_506 = arith.index_cast %add3A_157 : i32 to index
      %get3A_507 = tpu.vector_load %arg7[%get3A_506] {strides = array<i32>} : memref<13824xi32, #tpu.memory_space<vmem>>, vector<16xi32>,
      %gather3A_508 = tpu.vector_load_idx %arg6[%get3A_507] : memref<2304xf32, #tpu.memory_space<vmem>>[vector<16xi32>], vector<16xf32>,
      %get3A_509 = arith.index_cast %add3A_161 : i32 to index
      %get3A_510 = tpu.vector_load %arg7[%get3A_509] {strides = array<i32>} : memref<13824xi32, #tpu.memory_space<vmem>>, vector<16xi32>,
      %gather3A_511 = tpu.vector_load_idx %arg6[%get3A_510] : memref<2304xf32, #tpu.memory_space<vmem>>[vector<16xi32>], vector<16xf32>,
      %get3A_512 = arith.index_cast %add3A_165 : i32 to index
      %get3A_513 = tpu.vector_load %arg7[%get3A_512] {strides = array<i32>} : memref<13824xi32, #tpu.memory_space<vmem>>, vector<16xi32>,
      %gather3A_514 = tpu.vector_load_idx %arg6[%get3A_513] : memref<2304xf32, #tpu.memory_space<vmem>>[vector<16xi32>], vector<16xf32>,
      %get3A_515 = arith.index_cast %add3A_169 : i32 to index
      %get3A_516 = tpu.vector_load %arg7[%get3A_515] {strides = array<i32>} : memref<13824xi32, #tpu.memory_space<vmem>>, vector<16xi32>,
      %gather3A_517 = tpu.vector_load_idx %arg6[%get3A_516] : memref<2304xf32, #tpu.memory_space<vmem>>[vector<16xi32>], vector<16xf32>,
      %get3A_518 = arith.index_cast %add3A_173 : i32 to index
      %get3A_519 = tpu.vector_load %arg7[%get3A_518] {strides = array<i32>} : memref<13824xi32, #tpu.memory_space<vmem>>, vector<16xi32>,
      %gather3A_520 = tpu.vector_load_idx %arg6[%get3A_519] : memref<2304xf32, #tpu.memory_space<vmem>>[vector<16xi32>], vector<16xf32>,
      %get3A_521 = arith.index_cast %add3A_177 : i32 to index
      %get3A_522 = tpu.vector_load %arg7[%get3A_521] {strides = array<i32>} : memref<13824xi32, #tpu.memory_space<vmem>>, vector<16xi32>,
      %gather3A_523 = tpu.vector_load_idx %arg6[%get3A_522] : memref<2304xf32, #tpu.memory_space<vmem>>[vector<16xi32>], vector<16xf32>,
      %get3A_524 = arith.index_cast %add3A_181 : i32 to index
      %get3A_525 = tpu.vector_load %arg7[%get3A_524] {strides = array<i32>} : memref<13824xi32, #tpu.memory_space<vmem>>, vector<16xi32>,
      %gather3A_526 = tpu.vector_load_idx %arg6[%get3A_525] : memref<2304xf32, #tpu.memory_space<vmem>>[vector<16xi32>], vector<16xf32>,
      %get3A_527 = arith.index_cast %add3A_185 : i32 to index
      %get3A_528 = tpu.vector_load %arg7[%get3A_527] {strides = array<i32>} : memref<13824xi32, #tpu.memory_space<vmem>>, vector<16xi32>,
      %gather3A_529 = tpu.vector_load_idx %arg6[%get3A_528] : memref<2304xf32, #tpu.memory_space<vmem>>[vector<16xi32>], vector<16xf32>,
      %get3A_530 = arith.index_cast %add3A_189 : i32 to index
      %get3A_531 = tpu.vector_load %arg7[%get3A_530] {strides = array<i32>} : memref<13824xi32, #tpu.memory_space<vmem>>, vector<16xi32>,
      %gather3A_532 = tpu.vector_load_idx %arg6[%get3A_531] : memref<2304xf32, #tpu.memory_space<vmem>>[vector<16xi32>], vector<16xf32>,
      %get3A_533 = arith.index_cast %add3A_193 : i32 to index
      %get3A_534 = tpu.vector_load %arg7[%get3A_533] {strides = array<i32>} : memref<13824xi32, #tpu.memory_space<vmem>>, vector<16xi32>,
      %gather3A_535 = tpu.vector_load_idx %arg6[%get3A_534] : memref<2304xf32, #tpu.memory_space<vmem>>[vector<16xi32>], vector<16xf32>,
      %get3A_536 = arith.index_cast %add3A_197 : i32 to index
      %get3A_537 = tpu.vector_load %arg7[%get3A_536] {strides = array<i32>} : memref<13824xi32, #tpu.memory_space<vmem>>, vector<16xi32>,
      %gather3A_538 = tpu.vector_load_idx %arg6[%get3A_537] : memref<2304xf32, #tpu.memory_space<vmem>>[vector<16xi32>], vector<16xf32>,
      %get3A_539 = arith.index_cast %add3A_201 : i32 to index
      %get3A_540 = tpu.vector_load %arg7[%get3A_539] {strides = array<i32>} : memref<13824xi32, #tpu.memory_space<vmem>>, vector<16xi32>,
      %gather3A_541 = tpu.vector_load_idx %arg6[%get3A_540] : memref<2304xf32, #tpu.memory_space<vmem>>[vector<16xi32>], vector<16xf32>,
      %swap3A_542 = arith.index_cast %scan3A_76 : i32 to index
      %swap3A_543 = arith.constant 576 : index
      %swap3A_544 = tpu.vector_load %arg9[%swap3A_542, %swap3A_543] {strides = array<i32>} : memref<24x1152xf32, #tpu.memory_space<vmem>>, vector<16xf32>,
      tpu.vector_store %arg9[%swap3A_542, %swap3A_543], %gather3A_508 {strides = array<i32>} : memref<24x1152xf32, #tpu.memory_space<vmem>>, vector<16xf32>,
      %swap3A_545 = arith.index_cast %scan3A_76 : i32 to index
      %swap3A_546 = arith.constant 592 : index
      %swap3A_547 = tpu.vector_load %arg9[%swap3A_545, %swap3A_546] {strides = array<i32>} : memref<24x1152xf32, #tpu.memory_space<vmem>>, vector<16xf32>,
      tpu.vector_store %arg9[%swap3A_545, %swap3A_546], %gather3A_511 {strides = array<i32>} : memref<24x1152xf32, #tpu.memory_space<vmem>>, vector<16xf32>,
      %swap3A_548 = arith.index_cast %scan3A_76 : i32 to index
      %swap3A_549 = arith.constant 608 : index
      %swap3A_550 = tpu.vector_load %arg9[%swap3A_548, %swap3A_549] {strides = array<i32>} : memref<24x1152xf32, #tpu.memory_space<vmem>>, vector<16xf32>,
      tpu.vector_store %arg9[%swap3A_548, %swap3A_549], %gather3A_514 {strides = array<i32>} : memref<24x1152xf32, #tpu.memory_space<vmem>>, vector<16xf32>,
      %swap3A_551 = arith.index_cast %scan3A_76 : i32 to index
      %swap3A_552 = arith.constant 624 : index
      %swap3A_553 = tpu.vector_load %arg9[%swap3A_551, %swap3A_552] {strides = array<i32>} : memref<24x1152xf32, #tpu.memory_space<vmem>>, vector<16xf32>,
      tpu.vector_store %arg9[%swap3A_551, %swap3A_552], %gather3A_517 {strides = array<i32>} : memref<24x1152xf32, #tpu.memory_space<vmem>>, vector<16xf32>,
      %swap3A_554 = arith.index_cast %scan3A_76 : i32 to index
      %swap3A_555 = arith.constant 640 : index
      %swap3A_556 = tpu.vector_load %arg9[%swap3A_554, %swap3A_555] {strides = array<i32>} : memref<24x1152xf32, #tpu.memory_space<vmem>>, vector<16xf32>,
      tpu.vector_store %arg9[%swap3A_554, %swap3A_555], %gather3A_520 {strides = array<i32>} : memref<24x1152xf32, #tpu.memory_space<vmem>>, vector<16xf32>,
      %swap3A_557 = arith.index_cast %scan3A_76 : i32 to index
      %swap3A_558 = arith.constant 656 : index
      %swap3A_559 = tpu.vector_load %arg9[%swap3A_557, %swap3A_558] {strides = array<i32>} : memref<24x1152xf32, #tpu.memory_space<vmem>>, vector<16xf32>,
      tpu.vector_store %arg9[%swap3A_557, %swap3A_558], %gather3A_523 {strides = array<i32>} : memref<24x1152xf32, #tpu.memory_space<vmem>>, vector<16xf32>,
      %swap3A_560 = arith.index_cast %scan3A_76 : i32 to index
      %swap3A_561 = arith.constant 672 : index
      %swap3A_562 = tpu.vector_load %arg9[%swap3A_560, %swap3A_561] {strides = array<i32>} : memref<24x1152xf32, #tpu.memory_space<vmem>>, vector<16xf32>,
      tpu.vector_store %arg9[%swap3A_560, %swap3A_561], %gather3A_526 {strides = array<i32>} : memref<24x1152xf32, #tpu.memory_space<vmem>>, vector<16xf32>,
      %swap3A_563 = arith.index_cast %scan3A_76 : i32 to index
      %swap3A_564 = arith.constant 688 : index
      %swap3A_565 = tpu.vector_load %arg9[%swap3A_563, %swap3A_564] {strides = array<i32>} : memref<24x1152xf32, #tpu.memory_space<vmem>>, vector<16xf32>,
      tpu.vector_store %arg9[%swap3A_563, %swap3A_564], %gather3A_529 {strides = array<i32>} : memref<24x1152xf32, #tpu.memory_space<vmem>>, vector<16xf32>,
      %swap3A_566 = arith.index_cast %scan3A_76 : i32 to index
      %swap3A_567 = arith.constant 704 : index
      %swap3A_568 = tpu.vector_load %arg9[%swap3A_566, %swap3A_567] {strides = array<i32>} : memref<24x1152xf32, #tpu.memory_space<vmem>>, vector<16xf32>,
      tpu.vector_store %arg9[%swap3A_566, %swap3A_567], %gather3A_532 {strides = array<i32>} : memref<24x1152xf32, #tpu.memory_space<vmem>>, vector<16xf32>,
      %swap3A_569 = arith.index_cast %scan3A_76 : i32 to index
      %swap3A_570 = arith.constant 720 : index
      %swap3A_571 = tpu.vector_load %arg9[%swap3A_569, %swap3A_570] {strides = array<i32>} : memref<24x1152xf32, #tpu.memory_space<vmem>>, vector<16xf32>,
      tpu.vector_store %arg9[%swap3A_569, %swap3A_570], %gather3A_535 {strides = array<i32>} : memref<24x1152xf32, #tpu.memory_space<vmem>>, vector<16xf32>,
      %swap3A_572 = arith.index_cast %scan3A_76 : i32 to index
      %swap3A_573 = arith.constant 736 : index
      %swap3A_574 = tpu.vector_load %arg9[%swap3A_572, %swap3A_573] {strides = array<i32>} : memref<24x1152xf32, #tpu.memory_space<vmem>>, vector<16xf32>,
      tpu.vector_store %arg9[%swap3A_572, %swap3A_573], %gather3A_538 {strides = array<i32>} : memref<24x1152xf32, #tpu.memory_space<vmem>>, vector<16xf32>,
      %swap3A_575 = arith.index_cast %scan3A_76 : i32 to index
      %swap3A_576 = arith.constant 752 : index
      %swap3A_577 = tpu.vector_load %arg9[%swap3A_575, %swap3A_576] {strides = array<i32>} : memref<24x1152xf32, #tpu.memory_space<vmem>>, vector<16xf32>,
      tpu.vector_store %arg9[%swap3A_575, %swap3A_576], %gather3A_541 {strides = array<i32>} : memref<24x1152xf32, #tpu.memory_space<vmem>>, vector<16xf32>,
      %get3A_578 = arith.index_cast %add3A_205 : i32 to index
      %get3A_579 = tpu.vector_load %arg7[%get3A_578] {strides = array<i32>} : memref<13824xi32, #tpu.memory_space<vmem>>, vector<16xi32>,
      %gather3A_580 = tpu.vector_load_idx %arg6[%get3A_579] : memref<2304xf32, #tpu.memory_space<vmem>>[vector<16xi32>], vector<16xf32>,
      %get3A_581 = arith.index_cast %add3A_209 : i32 to index
      %get3A_582 = tpu.vector_load %arg7[%get3A_581] {strides = array<i32>} : memref<13824xi32, #tpu.memory_space<vmem>>, vector<16xi32>,
      %gather3A_583 = tpu.vector_load_idx %arg6[%get3A_582] : memref<2304xf32, #tpu.memory_space<vmem>>[vector<16xi32>], vector<16xf32>,
      %get3A_584 = arith.index_cast %add3A_213 : i32 to index
      %get3A_585 = tpu.vector_load %arg7[%get3A_584] {strides = array<i32>} : memref<13824xi32, #tpu.memory_space<vmem>>, vector<16xi32>,
      %gather3A_586 = tpu.vector_load_idx %arg6[%get3A_585] : memref<2304xf32, #tpu.memory_space<vmem>>[vector<16xi32>], vector<16xf32>,
      %get3A_587 = arith.index_cast %add3A_217 : i32 to index
      %get3A_588 = tpu.vector_load %arg7[%get3A_587] {strides = array<i32>} : memref<13824xi32, #tpu.memory_space<vmem>>, vector<16xi32>,
      %gather3A_589 = tpu.vector_load_idx %arg6[%get3A_588] : memref<2304xf32, #tpu.memory_space<vmem>>[vector<16xi32>], vector<16xf32>,
      %get3A_590 = arith.index_cast %add3A_221 : i32 to index
      %get3A_591 = tpu.vector_load %arg7[%get3A_590] {strides = array<i32>} : memref<13824xi32, #tpu.memory_space<vmem>>, vector<16xi32>,
      %gather3A_592 = tpu.vector_load_idx %arg6[%get3A_591] : memref<2304xf32, #tpu.memory_space<vmem>>[vector<16xi32>], vector<16xf32>,
      %get3A_593 = arith.index_cast %add3A_225 : i32 to index
      %get3A_594 = tpu.vector_load %arg7[%get3A_593] {strides = array<i32>} : memref<13824xi32, #tpu.memory_space<vmem>>, vector<16xi32>,
      %gather3A_595 = tpu.vector_load_idx %arg6[%get3A_594] : memref<2304xf32, #tpu.memory_space<vmem>>[vector<16xi32>], vector<16xf32>,
      %get3A_596 = arith.index_cast %add3A_229 : i32 to index
      %get3A_597 = tpu.vector_load %arg7[%get3A_596] {strides = array<i32>} : memref<13824xi32, #tpu.memory_space<vmem>>, vector<16xi32>,
      %gather3A_598 = tpu.vector_load_idx %arg6[%get3A_597] : memref<2304xf32, #tpu.memory_space<vmem>>[vector<16xi32>], vector<16xf32>,
      %get3A_599 = arith.index_cast %add3A_233 : i32 to index
      %get3A_600 = tpu.vector_load %arg7[%get3A_599] {strides = array<i32>} : memref<13824xi32, #tpu.memory_space<vmem>>, vector<16xi32>,
      %gather3A_601 = tpu.vector_load_idx %arg6[%get3A_600] : memref<2304xf32, #tpu.memory_space<vmem>>[vector<16xi32>], vector<16xf32>,
      %get3A_602 = arith.index_cast %add3A_237 : i32 to index
      %get3A_603 = tpu.vector_load %arg7[%get3A_602] {strides = array<i32>} : memref<13824xi32, #tpu.memory_space<vmem>>, vector<16xi32>,
      %gather3A_604 = tpu.vector_load_idx %arg6[%get3A_603] : memref<2304xf32, #tpu.memory_space<vmem>>[vector<16xi32>], vector<16xf32>,
      %get3A_605 = arith.index_cast %add3A_241 : i32 to index
      %get3A_606 = tpu.vector_load %arg7[%get3A_605] {strides = array<i32>} : memref<13824xi32, #tpu.memory_space<vmem>>, vector<16xi32>,
      %gather3A_607 = tpu.vector_load_idx %arg6[%get3A_606] : memref<2304xf32, #tpu.memory_space<vmem>>[vector<16xi32>], vector<16xf32>,
      %get3A_608 = arith.index_cast %add3A_245 : i32 to index
      %get3A_609 = tpu.vector_load %arg7[%get3A_608] {strides = array<i32>} : memref<13824xi32, #tpu.memory_space<vmem>>, vector<16xi32>,
      %gather3A_610 = tpu.vector_load_idx %arg6[%get3A_609] : memref<2304xf32, #tpu.memory_space<vmem>>[vector<16xi32>], vector<16xf32>,
      %get3A_611 = arith.index_cast %add3A_249 : i32 to index
      %get3A_612 = tpu.vector_load %arg7[%get3A_611] {strides = array<i32>} : memref<13824xi32, #tpu.memory_space<vmem>>, vector<16xi32>,
      %gather3A_613 = tpu.vector_load_idx %arg6[%get3A_612] : memref<2304xf32, #tpu.memory_space<vmem>>[vector<16xi32>], vector<16xf32>,
      %swap3A_614 = arith.index_cast %scan3A_76 : i32 to index
      %swap3A_615 = arith.constant 768 : index
      %swap3A_616 = tpu.vector_load %arg9[%swap3A_614, %swap3A_615] {strides = array<i32>} : memref<24x1152xf32, #tpu.memory_space<vmem>>, vector<16xf32>,
      tpu.vector_store %arg9[%swap3A_614, %swap3A_615], %gather3A_580 {strides = array<i32>} : memref<24x1152xf32, #tpu.memory_space<vmem>>, vector<16xf32>,
      %swap3A_617 = arith.index_cast %scan3A_76 : i32 to index
      %swap3A_618 = arith.constant 784 : index
      %swap3A_619 = tpu.vector_load %arg9[%swap3A_617, %swap3A_618] {strides = array<i32>} : memref<24x1152xf32, #tpu.memory_space<vmem>>, vector<16xf32>,
      tpu.vector_store %arg9[%swap3A_617, %swap3A_618], %gather3A_583 {strides = array<i32>} : memref<24x1152xf32, #tpu.memory_space<vmem>>, vector<16xf32>,
      %swap3A_620 = arith.index_cast %scan3A_76 : i32 to index
      %swap3A_621 = arith.constant 800 : index
      %swap3A_622 = tpu.vector_load %arg9[%swap3A_620, %swap3A_621] {strides = array<i32>} : memref<24x1152xf32, #tpu.memory_space<vmem>>, vector<16xf32>,
      tpu.vector_store %arg9[%swap3A_620, %swap3A_621], %gather3A_586 {strides = array<i32>} : memref<24x1152xf32, #tpu.memory_space<vmem>>, vector<16xf32>,
      %swap3A_623 = arith.index_cast %scan3A_76 : i32 to index
      %swap3A_624 = arith.constant 816 : index
      %swap3A_625 = tpu.vector_load %arg9[%swap3A_623, %swap3A_624] {strides = array<i32>} : memref<24x1152xf32, #tpu.memory_space<vmem>>, vector<16xf32>,
      tpu.vector_store %arg9[%swap3A_623, %swap3A_624], %gather3A_589 {strides = array<i32>} : memref<24x1152xf32, #tpu.memory_space<vmem>>, vector<16xf32>,
      %swap3A_626 = arith.index_cast %scan3A_76 : i32 to index
      %swap3A_627 = arith.constant 832 : index
      %swap3A_628 = tpu.vector_load %arg9[%swap3A_626, %swap3A_627] {strides = array<i32>} : memref<24x1152xf32, #tpu.memory_space<vmem>>, vector<16xf32>,
      tpu.vector_store %arg9[%swap3A_626, %swap3A_627], %gather3A_592 {strides = array<i32>} : memref<24x1152xf32, #tpu.memory_space<vmem>>, vector<16xf32>,
      %swap3A_629 = arith.index_cast %scan3A_76 : i32 to index
      %swap3A_630 = arith.constant 848 : index
      %swap3A_631 = tpu.vector_load %arg9[%swap3A_629, %swap3A_630] {strides = array<i32>} : memref<24x1152xf32, #tpu.memory_space<vmem>>, vector<16xf32>,
      tpu.vector_store %arg9[%swap3A_629, %swap3A_630], %gather3A_595 {strides = array<i32>} : memref<24x1152xf32, #tpu.memory_space<vmem>>, vector<16xf32>,
      %swap3A_632 = arith.index_cast %scan3A_76 : i32 to index
      %swap3A_633 = arith.constant 864 : index
      %swap3A_634 = tpu.vector_load %arg9[%swap3A_632, %swap3A_633] {strides = array<i32>} : memref<24x1152xf32, #tpu.memory_space<vmem>>, vector<16xf32>,
      tpu.vector_store %arg9[%swap3A_632, %swap3A_633], %gather3A_598 {strides = array<i32>} : memref<24x1152xf32, #tpu.memory_space<vmem>>, vector<16xf32>,
      %swap3A_635 = arith.index_cast %scan3A_76 : i32 to index
      %swap3A_636 = arith.constant 880 : index
      %swap3A_637 = tpu.vector_load %arg9[%swap3A_635, %swap3A_636] {strides = array<i32>} : memref<24x1152xf32, #tpu.memory_space<vmem>>, vector<16xf32>,
      tpu.vector_store %arg9[%swap3A_635, %swap3A_636], %gather3A_601 {strides = array<i32>} : memref<24x1152xf32, #tpu.memory_space<vmem>>, vector<16xf32>,
      %swap3A_638 = arith.index_cast %scan3A_76 : i32 to index
      %swap3A_639 = arith.constant 896 : index
      %swap3A_640 = tpu.vector_load %arg9[%swap3A_638, %swap3A_639] {strides = array<i32>} : memref<24x1152xf32, #tpu.memory_space<vmem>>, vector<16xf32>,
      tpu.vector_store %arg9[%swap3A_638, %swap3A_639], %gather3A_604 {strides = array<i32>} : memref<24x1152xf32, #tpu.memory_space<vmem>>, vector<16xf32>,
      %swap3A_641 = arith.index_cast %scan3A_76 : i32 to index
      %swap3A_642 = arith.constant 912 : index
      %swap3A_643 = tpu.vector_load %arg9[%swap3A_641, %swap3A_642] {strides = array<i32>} : memref<24x1152xf32, #tpu.memory_space<vmem>>, vector<16xf32>,
      tpu.vector_store %arg9[%swap3A_641, %swap3A_642], %gather3A_607 {strides = array<i32>} : memref<24x1152xf32, #tpu.memory_space<vmem>>, vector<16xf32>,
      %swap3A_644 = arith.index_cast %scan3A_76 : i32 to index
      %swap3A_645 = arith.constant 928 : index
      %swap3A_646 = tpu.vector_load %arg9[%swap3A_644, %swap3A_645] {strides = array<i32>} : memref<24x1152xf32, #tpu.memory_space<vmem>>, vector<16xf32>,
      tpu.vector_store %arg9[%swap3A_644, %swap3A_645], %gather3A_610 {strides = array<i32>} : memref<24x1152xf32, #tpu.memory_space<vmem>>, vector<16xf32>,
      %swap3A_647 = arith.index_cast %scan3A_76 : i32 to index
      %swap3A_648 = arith.constant 944 : index
      %swap3A_649 = tpu.vector_load %arg9[%swap3A_647, %swap3A_648] {strides = array<i32>} : memref<24x1152xf32, #tpu.memory_space<vmem>>, vector<16xf32>,
      tpu.vector_store %arg9[%swap3A_647, %swap3A_648], %gather3A_613 {strides = array<i32>} : memref<24x1152xf32, #tpu.memory_space<vmem>>, vector<16xf32>,
      %get3A_650 = arith.index_cast %add3A_253 : i32 to index
      %get3A_651 = tpu.vector_load %arg7[%get3A_650] {strides = array<i32>} : memref<13824xi32, #tpu.memory_space<vmem>>, vector<16xi32>,
      %gather3A_652 = tpu.vector_load_idx %arg6[%get3A_651] : memref<2304xf32, #tpu.memory_space<vmem>>[vector<16xi32>], vector<16xf32>,
      %get3A_653 = arith.index_cast %add3A_257 : i32 to index
      %get3A_654 = tpu.vector_load %arg7[%get3A_653] {strides = array<i32>} : memref<13824xi32, #tpu.memory_space<vmem>>, vector<16xi32>,
      %gather3A_655 = tpu.vector_load_idx %arg6[%get3A_654] : memref<2304xf32, #tpu.memory_space<vmem>>[vector<16xi32>], vector<16xf32>,
      %get3A_656 = arith.index_cast %add3A_261 : i32 to index
      %get3A_657 = tpu.vector_load %arg7[%get3A_656] {strides = array<i32>} : memref<13824xi32, #tpu.memory_space<vmem>>, vector<16xi32>,
      %gather3A_658 = tpu.vector_load_idx %arg6[%get3A_657] : memref<2304xf32, #tpu.memory_space<vmem>>[vector<16xi32>], vector<16xf32>,
      %get3A_659 = arith.index_cast %add3A_265 : i32 to index
      %get3A_660 = tpu.vector_load %arg7[%get3A_659] {strides = array<i32>} : memref<13824xi32, #tpu.memory_space<vmem>>, vector<16xi32>,
      %gather3A_661 = tpu.vector_load_idx %arg6[%get3A_660] : memref<2304xf32, #tpu.memory_space<vmem>>[vector<16xi32>], vector<16xf32>,
      %get3A_662 = arith.index_cast %add3A_269 : i32 to index
      %get3A_663 = tpu.vector_load %arg7[%get3A_662] {strides = array<i32>} : memref<13824xi32, #tpu.memory_space<vmem>>, vector<16xi32>,
      %gather3A_664 = tpu.vector_load_idx %arg6[%get3A_663] : memref<2304xf32, #tpu.memory_space<vmem>>[vector<16xi32>], vector<16xf32>,
      %get3A_665 = arith.index_cast %add3A_273 : i32 to index
      %get3A_666 = tpu.vector_load %arg7[%get3A_665] {strides = array<i32>} : memref<13824xi32, #tpu.memory_space<vmem>>, vector<16xi32>,
      %gather3A_667 = tpu.vector_load_idx %arg6[%get3A_666] : memref<2304xf32, #tpu.memory_space<vmem>>[vector<16xi32>], vector<16xf32>,
      %get3A_668 = arith.index_cast %add3A_277 : i32 to index
      %get3A_669 = tpu.vector_load %arg7[%get3A_668] {strides = array<i32>} : memref<13824xi32, #tpu.memory_space<vmem>>, vector<16xi32>,
      %gather3A_670 = tpu.vector_load_idx %arg6[%get3A_669] : memref<2304xf32, #tpu.memory_space<vmem>>[vector<16xi32>], vector<16xf32>,
      %get3A_671 = arith.index_cast %add3A_281 : i32 to index
      %get3A_672 = tpu.vector_load %arg7[%get3A_671] {strides = array<i32>} : memref<13824xi32, #tpu.memory_space<vmem>>, vector<16xi32>,
      %gather3A_673 = tpu.vector_load_idx %arg6[%get3A_672] : memref<2304xf32, #tpu.memory_space<vmem>>[vector<16xi32>], vector<16xf32>,
      %get3A_674 = arith.index_cast %add3A_285 : i32 to index
      %get3A_675 = tpu.vector_load %arg7[%get3A_674] {strides = array<i32>} : memref<13824xi32, #tpu.memory_space<vmem>>, vector<16xi32>,
      %gather3A_676 = tpu.vector_load_idx %arg6[%get3A_675] : memref<2304xf32, #tpu.memory_space<vmem>>[vector<16xi32>], vector<16xf32>,
      %get3A_677 = arith.index_cast %add3A_289 : i32 to index
      %get3A_678 = tpu.vector_load %arg7[%get3A_677] {strides = array<i32>} : memref<13824xi32, #tpu.memory_space<vmem>>, vector<16xi32>,
      %gather3A_679 = tpu.vector_load_idx %arg6[%get3A_678] : memref<2304xf32, #tpu.memory_space<vmem>>[vector<16xi32>], vector<16xf32>,
      %get3A_680 = arith.index_cast %sub3A_292 : i32 to index
      %get3A_681 = tpu.vector_load %arg7[%get3A_680] {strides = array<i32>} : memref<13824xi32, #tpu.memory_space<vmem>>, vector<16xi32>,
      %gather3A_682 = tpu.vector_load_idx %arg6[%get3A_681] : memref<2304xf32, #tpu.memory_space<vmem>>[vector<16xi32>], vector<16xf32>,
      %swap3A_683 = arith.index_cast %scan3A_76 : i32 to index
      %swap3A_684 = arith.constant 960 : index
      %swap3A_685 = tpu.vector_load %arg9[%swap3A_683, %swap3A_684] {strides = array<i32>} : memref<24x1152xf32, #tpu.memory_space<vmem>>, vector<16xf32>,
      tpu.vector_store %arg9[%swap3A_683, %swap3A_684], %gather3A_652 {strides = array<i32>} : memref<24x1152xf32, #tpu.memory_space<vmem>>, vector<16xf32>,
      %swap3A_686 = arith.index_cast %scan3A_76 : i32 to index
      %swap3A_687 = arith.constant 976 : index
      %swap3A_688 = tpu.vector_load %arg9[%swap3A_686, %swap3A_687] {strides = array<i32>} : memref<24x1152xf32, #tpu.memory_space<vmem>>, vector<16xf32>,
      tpu.vector_store %arg9[%swap3A_686, %swap3A_687], %gather3A_655 {strides = array<i32>} : memref<24x1152xf32, #tpu.memory_space<vmem>>, vector<16xf32>,
      %swap3A_689 = arith.index_cast %scan3A_76 : i32 to index
      %swap3A_690 = arith.constant 992 : index
      %swap3A_691 = tpu.vector_load %arg9[%swap3A_689, %swap3A_690] {strides = array<i32>} : memref<24x1152xf32, #tpu.memory_space<vmem>>, vector<16xf32>,
      tpu.vector_store %arg9[%swap3A_689, %swap3A_690], %gather3A_658 {strides = array<i32>} : memref<24x1152xf32, #tpu.memory_space<vmem>>, vector<16xf32>,
      %swap3A_692 = arith.index_cast %scan3A_76 : i32 to index
      %swap3A_693 = arith.constant 1008 : index
      %swap3A_694 = tpu.vector_load %arg9[%swap3A_692, %swap3A_693] {strides = array<i32>} : memref<24x1152xf32, #tpu.memory_space<vmem>>, vector<16xf32>,
      tpu.vector_store %arg9[%swap3A_692, %swap3A_693], %gather3A_661 {strides = array<i32>} : memref<24x1152xf32, #tpu.memory_space<vmem>>, vector<16xf32>,
      %swap3A_695 = arith.index_cast %scan3A_76 : i32 to index
      %swap3A_696 = arith.constant 1024 : index
      %swap3A_697 = tpu.vector_load %arg9[%swap3A_695, %swap3A_696] {strides = array<i32>} : memref<24x1152xf32, #tpu.memory_space<vmem>>, vector<16xf32>,
      tpu.vector_store %arg9[%swap3A_695, %swap3A_696], %gather3A_664 {strides = array<i32>} : memref<24x1152xf32, #tpu.memory_space<vmem>>, vector<16xf32>,
      %swap3A_698 = arith.index_cast %scan3A_76 : i32 to index
      %swap3A_699 = arith.constant 1040 : index
      %swap3A_700 = tpu.vector_load %arg9[%swap3A_698, %swap3A_699] {strides = array<i32>} : memref<24x1152xf32, #tpu.memory_space<vmem>>, vector<16xf32>,
      tpu.vector_store %arg9[%swap3A_698, %swap3A_699], %gather3A_667 {strides = array<i32>} : memref<24x1152xf32, #tpu.memory_space<vmem>>, vector<16xf32>,
      %swap3A_701 = arith.index_cast %scan3A_76 : i32 to index
      %swap3A_702 = arith.constant 1056 : index
      %swap3A_703 = tpu.vector_load %arg9[%swap3A_701, %swap3A_702] {strides = array<i32>} : memref<24x1152xf32, #tpu.memory_space<vmem>>, vector<16xf32>,
      tpu.vector_store %arg9[%swap3A_701, %swap3A_702], %gather3A_670 {strides = array<i32>} : memref<24x1152xf32, #tpu.memory_space<vmem>>, vector<16xf32>,
      %swap3A_704 = arith.index_cast %scan3A_76 : i32 to index
      %swap3A_705 = arith.constant 1072 : index
      %swap3A_706 = tpu.vector_load %arg9[%swap3A_704, %swap3A_705] {strides = array<i32>} : memref<24x1152xf32, #tpu.memory_space<vmem>>, vector<16xf32>,
      tpu.vector_store %arg9[%swap3A_704, %swap3A_705], %gather3A_673 {strides = array<i32>} : memref<24x1152xf32, #tpu.memory_space<vmem>>, vector<16xf32>,
      %swap3A_707 = arith.index_cast %scan3A_76 : i32 to index
      %swap3A_708 = arith.constant 1088 : index
      %swap3A_709 = tpu.vector_load %arg9[%swap3A_707, %swap3A_708] {strides = array<i32>} : memref<24x1152xf32, #tpu.memory_space<vmem>>, vector<16xf32>,
      tpu.vector_store %arg9[%swap3A_707, %swap3A_708], %gather3A_676 {strides = array<i32>} : memref<24x1152xf32, #tpu.memory_space<vmem>>, vector<16xf32>,
      %swap3A_710 = arith.index_cast %scan3A_76 : i32 to index
      %swap3A_711 = arith.constant 1104 : index
      %swap3A_712 = tpu.vector_load %arg9[%swap3A_710, %swap3A_711] {strides = array<i32>} : memref<24x1152xf32, #tpu.memory_space<vmem>>, vector<16xf32>,
      tpu.vector_store %arg9[%swap3A_710, %swap3A_711], %gather3A_679 {strides = array<i32>} : memref<24x1152xf32, #tpu.memory_space<vmem>>, vector<16xf32>,
      %swap3A_713 = arith.index_cast %scan3A_76 : i32 to index
      %swap3A_714 = arith.constant 1112 : index
      %swap3A_715 = tpu.vector_load %arg9[%swap3A_713, %swap3A_714] {strides = array<i32>} : memref<24x1152xf32, #tpu.memory_space<vmem>>, vector<16xf32>,
      tpu.vector_store %arg9[%swap3A_713, %swap3A_714], %gather3A_682 {strides = array<i32>} : memref<24x1152xf32, #tpu.memory_space<vmem>>, vector<16xf32>,
      %scan3A_716 = arith.constant 0 : i32
      scf.yield %scan3A_716 : i32
    }
    %scan3A_12 = arith.constant 16 : i32
    %dma_start3A_13 = arith.constant 0 : i32
    %dma_start3A_14 = arith.constant 0 : i32
    %dma_start3A_15 = tpu.memref_slice %arg9[%dma_start3A_13, %dma_start3A_14] : memref<24x1152xf32, #tpu.memory_space<vmem>> -> memref<16x1152xf32, #tpu.memory_space<vmem>>
    %dma_start3A_16 = arith.constant 0 : i32
    %dma_start3A_17 = arith.constant 0 : i32
    %dma_start3A_18 = tpu.memref_slice %arg5[%add3A, %dma_start3A_16, %dma_start3A_17] : memref<32x24x1152xf32, #tpu.memory_space<hbm>> -> memref<1x16x1152xf32, #tpu.memory_space<hbm>>
    %dma_start3A_19 = tpu.memref_squeeze %dma_start3A_18 : memref<1x16x1152xf32, #tpu.memory_space<hbm>> -> memref<16x1152xf32, #tpu.memory_space<hbm>>
    %dma_start3A_20 = arith.constant 0 : i32
    %dma_start3A_21 = arith.constant 0 : i32
    %dma_start3A_22 = tpu.memref_slice %arg5[%add3A, %dma_start3A_20, %dma_start3A_21] : memref<32x24x1152xf32, #tpu.memory_space<hbm>> -> memref<1x16x1152xf32, #tpu.memory_space<hbm>>
    %dma_start3A_23 = tpu.memref_squeeze %dma_start3A_22 : memref<1x16x1152xf32, #tpu.memory_space<hbm>> -> memref<16x1152xf32, #tpu.memory_space<hbm>>
    %dma_start3A_24 = arith.constant 0 : i32
    %dma_start3A_25 = arith.constant 0 : i32
    %dma_start3A_26 = tpu.memref_slice %arg9[%dma_start3A_24, %dma_start3A_25] : memref<24x1152xf32, #tpu.memory_space<vmem>> -> memref<16x1152xf32, #tpu.memory_space<vmem>>
    tpu.enqueue_dma source(%dma_start3A_26 : memref<16x1152xf32, #tpu.memory_space<vmem>>) target(%dma_start3A_23 : memref<16x1152xf32, #tpu.memory_space<hbm>>) target_semaphore(%arg10 : memref<!tpu.dma_semaphore, #tpu.memory_space<semaphore_mem>>)
    %scan3A_27 = arith.constant 0 : i32
    %scan3A_28 = arith.constant 16 : i32
    %scan3A_29 = arith.constant 8 : i32
    %scan3A_30 = arith.addi %scan3A_28, %scan3A_29 : i32
    %scan3A_31 = arith.constant 1 : i32
    %scan3A_32 = scf.for %scan3A_76 = %scan3A_28 to %scan3A_30 step %scan3A_31 iter_args(%scan3A_77 = %scan3A_27) -> (i32)  : i32 {
      %mul3A_78 = arith.constant 576 : i32
      %mul3A_79 = arith.muli %scan3A_76, %mul3A_78 : i32
      %mul3A_80 = arith.constant 576 : i32
      %mul3A_81 = arith.muli %scan3A_76, %mul3A_80 : i32
      %add3A_82 = arith.constant 0 : i32
      %add3A_83 = arith.addi %mul3A_81, %add3A_82 : i32
      %add3A_84 = arith.constant 16 : i32
      %add3A_85 = arith.addi %mul3A_81, %add3A_84 : i32
      %add3A_86 = arith.constant 32 : i32
      %add3A_87 = arith.addi %mul3A_81, %add3A_86 : i32
      %add3A_88 = arith.constant 48 : i32
      %add3A_89 = arith.addi %mul3A_81, %add3A_88 : i32
      %add3A_90 = arith.constant 64 : i32
      %add3A_91 = arith.addi %mul3A_81, %add3A_90 : i32
      %add3A_92 = arith.constant 80 : i32
      %add3A_93 = arith.addi %mul3A_81, %add3A_92 : i32
      %add3A_94 = arith.constant 96 : i32
      %add3A_95 = arith.addi %mul3A_81, %add3A_94 : i32
      %add3A_96 = arith.constant 112 : i32
      %add3A_97 = arith.addi %mul3A_81, %add3A_96 : i32
      %add3A_98 = arith.constant 128 : i32
      %add3A_99 = arith.addi %mul3A_81, %add3A_98 : i32
      %add3A_100 = arith.constant 144 : i32
      %add3A_101 = arith.addi %mul3A_81, %add3A_100 : i32
      %add3A_102 = arith.constant 160 : i32
      %add3A_103 = arith.addi %mul3A_81, %add3A_102 : i32
      %add3A_104 = arith.constant 176 : i32
      %add3A_105 = arith.addi %mul3A_81, %add3A_104 : i32
      %add3A_106 = arith.constant 192 : i32
      %add3A_107 = arith.addi %mul3A_81, %add3A_106 : i32
      %add3A_108 = arith.constant 208 : i32
      %add3A_109 = arith.addi %mul3A_81, %add3A_108 : i32
      %add3A_110 = arith.constant 224 : i32
      %add3A_111 = arith.addi %mul3A_81, %add3A_110 : i32
      %add3A_112 = arith.constant 240 : i32
      %add3A_113 = arith.addi %mul3A_81, %add3A_112 : i32
      %add3A_114 = arith.constant 256 : i32
      %add3A_115 = arith.addi %mul3A_81, %add3A_114 : i32
      %add3A_116 = arith.constant 272 : i32
      %add3A_117 = arith.addi %mul3A_81, %add3A_116 : i32
      %add3A_118 = arith.constant 288 : i32
      %add3A_119 = arith.addi %mul3A_81, %add3A_118 : i32
      %add3A_120 = arith.constant 304 : i32
      %add3A_121 = arith.addi %mul3A_81, %add3A_120 : i32
      %add3A_122 = arith.constant 320 : i32
      %add3A_123 = arith.addi %mul3A_81, %add3A_122 : i32
      %add3A_124 = arith.constant 336 : i32
      %add3A_125 = arith.addi %mul3A_81, %add3A_124 : i32
      %add3A_126 = arith.constant 352 : i32
      %add3A_127 = arith.addi %mul3A_81, %add3A_126 : i32
      %add3A_128 = arith.constant 368 : i32
      %add3A_129 = arith.addi %mul3A_81, %add3A_128 : i32
      %add3A_130 = arith.constant 384 : i32
      %add3A_131 = arith.addi %mul3A_81, %add3A_130 : i32
      %add3A_132 = arith.constant 400 : i32
      %add3A_133 = arith.addi %mul3A_81, %add3A_132 : i32
      %add3A_134 = arith.constant 416 : i32
      %add3A_135 = arith.addi %mul3A_81, %add3A_134 : i32
      %add3A_136 = arith.constant 432 : i32
      %add3A_137 = arith.addi %mul3A_81, %add3A_136 : i32
      %add3A_138 = arith.constant 448 : i32
      %add3A_139 = arith.addi %mul3A_81, %add3A_138 : i32
      %add3A_140 = arith.constant 464 : i32
      %add3A_141 = arith.addi %mul3A_81, %add3A_140 : i32
      %add3A_142 = arith.constant 480 : i32
      %add3A_143 = arith.addi %mul3A_81, %add3A_142 : i32
      %add3A_144 = arith.constant 496 : i32
      %add3A_145 = arith.addi %mul3A_81, %add3A_144 : i32
      %add3A_146 = arith.constant 512 : i32
      %add3A_147 = arith.addi %mul3A_81, %add3A_146 : i32
      %add3A_148 = arith.constant 528 : i32
      %add3A_149 = arith.addi %mul3A_81, %add3A_148 : i32
      %add3A_150 = arith.constant 544 : i32
      %add3A_151 = arith.addi %mul3A_81, %add3A_150 : i32
      %add3A_152 = arith.constant 560 : i32
      %add3A_153 = arith.addi %mul3A_81, %add3A_152 : i32
      %add3A_154 = arith.constant 24 : i32
      %add3A_155 = arith.addi %mul3A_79, %add3A_154 : i32
      %add3A_156 = arith.constant 0 : i32
      %add3A_157 = arith.addi %add3A_155, %add3A_156 : i32
      %add3A_158 = arith.constant 24 : i32
      %add3A_159 = arith.addi %mul3A_79, %add3A_158 : i32
      %add3A_160 = arith.constant 16 : i32
      %add3A_161 = arith.addi %add3A_159, %add3A_160 : i32
      %add3A_162 = arith.constant 24 : i32
      %add3A_163 = arith.addi %mul3A_79, %add3A_162 : i32
      %add3A_164 = arith.constant 32 : i32
      %add3A_165 = arith.addi %add3A_163, %add3A_164 : i32
      %add3A_166 = arith.constant 24 : i32
      %add3A_167 = arith.addi %mul3A_79, %add3A_166 : i32
      %add3A_168 = arith.constant 48 : i32
      %add3A_169 = arith.addi %add3A_167, %add3A_168 : i32
      %add3A_170 = arith.constant 24 : i32
      %add3A_171 = arith.addi %mul3A_79, %add3A_170 : i32
      %add3A_172 = arith.constant 64 : i32
      %add3A_173 = arith.addi %add3A_171, %add3A_172 : i32
      %add3A_174 = arith.constant 24 : i32
      %add3A_175 = arith.addi %mul3A_79, %add3A_174 : i32
      %add3A_176 = arith.constant 80 : i32
      %add3A_177 = arith.addi %add3A_175, %add3A_176 : i32
      %add3A_178 = arith.constant 24 : i32
      %add3A_179 = arith.addi %mul3A_79, %add3A_178 : i32
      %add3A_180 = arith.constant 96 : i32
      %add3A_181 = arith.addi %add3A_179, %add3A_180 : i32
      %add3A_182 = arith.constant 24 : i32
      %add3A_183 = arith.addi %mul3A_79, %add3A_182 : i32
      %add3A_184 = arith.constant 112 : i32
      %add3A_185 = arith.addi %add3A_183, %add3A_184 : i32
      %add3A_186 = arith.constant 24 : i32
      %add3A_187 = arith.addi %mul3A_79, %add3A_186 : i32
      %add3A_188 = arith.constant 128 : i32
      %add3A_189 = arith.addi %add3A_187, %add3A_188 : i32
      %add3A_190 = arith.constant 24 : i32
      %add3A_191 = arith.addi %mul3A_79, %add3A_190 : i32
      %add3A_192 = arith.constant 144 : i32
      %add3A_193 = arith.addi %add3A_191, %add3A_192 : i32
      %add3A_194 = arith.constant 24 : i32
      %add3A_195 = arith.addi %mul3A_79, %add3A_194 : i32
      %add3A_196 = arith.constant 160 : i32
      %add3A_197 = arith.addi %add3A_195, %add3A_196 : i32
      %add3A_198 = arith.constant 24 : i32
      %add3A_199 = arith.addi %mul3A_79, %add3A_198 : i32
      %add3A_200 = arith.constant 176 : i32
      %add3A_201 = arith.addi %add3A_199, %add3A_200 : i32
      %add3A_202 = arith.constant 24 : i32
      %add3A_203 = arith.addi %mul3A_79, %add3A_202 : i32
      %add3A_204 = arith.constant 192 : i32
      %add3A_205 = arith.addi %add3A_203, %add3A_204 : i32
      %add3A_206 = arith.constant 24 : i32
      %add3A_207 = arith.addi %mul3A_79, %add3A_206 : i32
      %add3A_208 = arith.constant 208 : i32
      %add3A_209 = arith.addi %add3A_207, %add3A_208 : i32
      %add3A_210 = arith.constant 24 : i32
      %add3A_211 = arith.addi %mul3A_79, %add3A_210 : i32
      %add3A_212 = arith.constant 224 : i32
      %add3A_213 = arith.addi %add3A_211, %add3A_212 : i32
      %add3A_214 = arith.constant 24 : i32
      %add3A_215 = arith.addi %mul3A_79, %add3A_214 : i32
      %add3A_216 = arith.constant 240 : i32
      %add3A_217 = arith.addi %add3A_215, %add3A_216 : i32
      %add3A_218 = arith.constant 24 : i32
      %add3A_219 = arith.addi %mul3A_79, %add3A_218 : i32
      %add3A_220 = arith.constant 256 : i32
      %add3A_221 = arith.addi %add3A_219, %add3A_220 : i32
      %add3A_222 = arith.constant 24 : i32
      %add3A_223 = arith.addi %mul3A_79, %add3A_222 : i32
      %add3A_224 = arith.constant 272 : i32
      %add3A_225 = arith.addi %add3A_223, %add3A_224 : i32
      %add3A_226 = arith.constant 24 : i32
      %add3A_227 = arith.addi %mul3A_79, %add3A_226 : i32
      %add3A_228 = arith.constant 288 : i32
      %add3A_229 = arith.addi %add3A_227, %add3A_228 : i32
      %add3A_230 = arith.constant 24 : i32
      %add3A_231 = arith.addi %mul3A_79, %add3A_230 : i32
      %add3A_232 = arith.constant 304 : i32
      %add3A_233 = arith.addi %add3A_231, %add3A_232 : i32
      %add3A_234 = arith.constant 24 : i32
      %add3A_235 = arith.addi %mul3A_79, %add3A_234 : i32
      %add3A_236 = arith.constant 320 : i32
      %add3A_237 = arith.addi %add3A_235, %add3A_236 : i32
      %add3A_238 = arith.constant 24 : i32
      %add3A_239 = arith.addi %mul3A_79, %add3A_238 : i32
      %add3A_240 = arith.constant 336 : i32
      %add3A_241 = arith.addi %add3A_239, %add3A_240 : i32
      %add3A_242 = arith.constant 24 : i32
      %add3A_243 = arith.addi %mul3A_79, %add3A_242 : i32
      %add3A_244 = arith.constant 352 : i32
      %add3A_245 = arith.addi %add3A_243, %add3A_244 : i32
      %add3A_246 = arith.constant 24 : i32
      %add3A_247 = arith.addi %mul3A_79, %add3A_246 : i32
      %add3A_248 = arith.constant 368 : i32
      %add3A_249 = arith.addi %add3A_247, %add3A_248 : i32
      %add3A_250 = arith.constant 24 : i32
      %add3A_251 = arith.addi %mul3A_79, %add3A_250 : i32
      %add3A_252 = arith.constant 384 : i32
      %add3A_253 = arith.addi %add3A_251, %add3A_252 : i32
      %add3A_254 = arith.constant 24 : i32
      %add3A_255 = arith.addi %mul3A_79, %add3A_254 : i32
      %add3A_256 = arith.constant 400 : i32
      %add3A_257 = arith.addi %add3A_255, %add3A_256 : i32
      %add3A_258 = arith.constant 24 : i32
      %add3A_259 = arith.addi %mul3A_79, %add3A_258 : i32
      %add3A_260 = arith.constant 416 : i32
      %add3A_261 = arith.addi %add3A_259, %add3A_260 : i32
      %add3A_262 = arith.constant 24 : i32
      %add3A_263 = arith.addi %mul3A_79, %add3A_262 : i32
      %add3A_264 = arith.constant 432 : i32
      %add3A_265 = arith.addi %add3A_263, %add3A_264 : i32
      %add3A_266 = arith.constant 24 : i32
      %add3A_267 = arith.addi %mul3A_79, %add3A_266 : i32
      %add3A_268 = arith.constant 448 : i32
      %add3A_269 = arith.addi %add3A_267, %add3A_268 : i32
      %add3A_270 = arith.constant 24 : i32
      %add3A_271 = arith.addi %mul3A_79, %add3A_270 : i32
      %add3A_272 = arith.constant 464 : i32
      %add3A_273 = arith.addi %add3A_271, %add3A_272 : i32
      %add3A_274 = arith.constant 24 : i32
      %add3A_275 = arith.addi %mul3A_79, %add3A_274 : i32
      %add3A_276 = arith.constant 480 : i32
      %add3A_277 = arith.addi %add3A_275, %add3A_276 : i32
      %add3A_278 = arith.constant 24 : i32
      %add3A_279 = arith.addi %mul3A_79, %add3A_278 : i32
      %add3A_280 = arith.constant 496 : i32
      %add3A_281 = arith.addi %add3A_279, %add3A_280 : i32
      %add3A_282 = arith.constant 24 : i32
      %add3A_283 = arith.addi %mul3A_79, %add3A_282 : i32
      %add3A_284 = arith.constant 512 : i32
      %add3A_285 = arith.addi %add3A_283, %add3A_284 : i32
      %add3A_286 = arith.constant 24 : i32
      %add3A_287 = arith.addi %mul3A_79, %add3A_286 : i32
      %add3A_288 = arith.constant 528 : i32
      %add3A_289 = arith.addi %add3A_287, %add3A_288 : i32
      %add3A_290 = arith.constant 576 : i32
      %add3A_291 = arith.addi %mul3A_79, %add3A_290 : i32
      %sub3A = arith.constant 16 : i32
      %sub3A_292 = arith.subi %add3A_291, %sub3A : i32
      %get3A = arith.index_cast %add3A_83 : i32 to index
      %get3A_293 = tpu.vector_load %arg8[%get3A] {strides = array<i32>} : memref<13824xi32, #tpu.memory_space<vmem>>, vector<16xi32>,
      %gather3A = tpu.vector_load_idx %arg6[%get3A_293] : memref<2304xf32, #tpu.memory_space<vmem>>[vector<16xi32>], vector<16xf32>,
      %get3A_294 = arith.index_cast %add3A_85 : i32 to index
      %get3A_295 = tpu.vector_load %arg8[%get3A_294] {strides = array<i32>} : memref<13824xi32, #tpu.memory_space<vmem>>, vector<16xi32>,
      %gather3A_296 = tpu.vector_load_idx %arg6[%get3A_295] : memref<2304xf32, #tpu.memory_space<vmem>>[vector<16xi32>], vector<16xf32>,
      %get3A_297 = arith.index_cast %add3A_87 : i32 to index
      %get3A_298 = tpu.vector_load %arg8[%get3A_297] {strides = array<i32>} : memref<13824xi32, #tpu.memory_space<vmem>>, vector<16xi32>,
      %gather3A_299 = tpu.vector_load_idx %arg6[%get3A_298] : memref<2304xf32, #tpu.memory_space<vmem>>[vector<16xi32>], vector<16xf32>,
      %get3A_300 = arith.index_cast %add3A_89 : i32 to index
      %get3A_301 = tpu.vector_load %arg8[%get3A_300] {strides = array<i32>} : memref<13824xi32, #tpu.memory_space<vmem>>, vector<16xi32>,
      %gather3A_302 = tpu.vector_load_idx %arg6[%get3A_301] : memref<2304xf32, #tpu.memory_space<vmem>>[vector<16xi32>], vector<16xf32>,
      %get3A_303 = arith.index_cast %add3A_91 : i32 to index
      %get3A_304 = tpu.vector_load %arg8[%get3A_303] {strides = array<i32>} : memref<13824xi32, #tpu.memory_space<vmem>>, vector<16xi32>,
      %gather3A_305 = tpu.vector_load_idx %arg6[%get3A_304] : memref<2304xf32, #tpu.memory_space<vmem>>[vector<16xi32>], vector<16xf32>,
      %get3A_306 = arith.index_cast %add3A_93 : i32 to index
      %get3A_307 = tpu.vector_load %arg8[%get3A_306] {strides = array<i32>} : memref<13824xi32, #tpu.memory_space<vmem>>, vector<16xi32>,
      %gather3A_308 = tpu.vector_load_idx %arg6[%get3A_307] : memref<2304xf32, #tpu.memory_space<vmem>>[vector<16xi32>], vector<16xf32>,
      %get3A_309 = arith.index_cast %add3A_95 : i32 to index
      %get3A_310 = tpu.vector_load %arg8[%get3A_309] {strides = array<i32>} : memref<13824xi32, #tpu.memory_space<vmem>>, vector<16xi32>,
      %gather3A_311 = tpu.vector_load_idx %arg6[%get3A_310] : memref<2304xf32, #tpu.memory_space<vmem>>[vector<16xi32>], vector<16xf32>,
      %get3A_312 = arith.index_cast %add3A_97 : i32 to index
      %get3A_313 = tpu.vector_load %arg8[%get3A_312] {strides = array<i32>} : memref<13824xi32, #tpu.memory_space<vmem>>, vector<16xi32>,
      %gather3A_314 = tpu.vector_load_idx %arg6[%get3A_313] : memref<2304xf32, #tpu.memory_space<vmem>>[vector<16xi32>], vector<16xf32>,
      %get3A_315 = arith.index_cast %add3A_99 : i32 to index
      %get3A_316 = tpu.vector_load %arg8[%get3A_315] {strides = array<i32>} : memref<13824xi32, #tpu.memory_space<vmem>>, vector<16xi32>,
      %gather3A_317 = tpu.vector_load_idx %arg6[%get3A_316] : memref<2304xf32, #tpu.memory_space<vmem>>[vector<16xi32>], vector<16xf32>,
      %get3A_318 = arith.index_cast %add3A_101 : i32 to index
      %get3A_319 = tpu.vector_load %arg8[%get3A_318] {strides = array<i32>} : memref<13824xi32, #tpu.memory_space<vmem>>, vector<16xi32>,
      %gather3A_320 = tpu.vector_load_idx %arg6[%get3A_319] : memref<2304xf32, #tpu.memory_space<vmem>>[vector<16xi32>], vector<16xf32>,
      %get3A_321 = arith.index_cast %add3A_103 : i32 to index
      %get3A_322 = tpu.vector_load %arg8[%get3A_321] {strides = array<i32>} : memref<13824xi32, #tpu.memory_space<vmem>>, vector<16xi32>,
      %gather3A_323 = tpu.vector_load_idx %arg6[%get3A_322] : memref<2304xf32, #tpu.memory_space<vmem>>[vector<16xi32>], vector<16xf32>,
      %get3A_324 = arith.index_cast %add3A_105 : i32 to index
      %get3A_325 = tpu.vector_load %arg8[%get3A_324] {strides = array<i32>} : memref<13824xi32, #tpu.memory_space<vmem>>, vector<16xi32>,
      %gather3A_326 = tpu.vector_load_idx %arg6[%get3A_325] : memref<2304xf32, #tpu.memory_space<vmem>>[vector<16xi32>], vector<16xf32>,
      %swap3A = arith.index_cast %scan3A_76 : i32 to index
      %swap3A_327 = arith.constant 0 : index
      %swap3A_328 = tpu.vector_load %arg9[%swap3A, %swap3A_327] {strides = array<i32>} : memref<24x1152xf32, #tpu.memory_space<vmem>>, vector<16xf32>,
      tpu.vector_store %arg9[%swap3A, %swap3A_327], %gather3A {strides = array<i32>} : memref<24x1152xf32, #tpu.memory_space<vmem>>, vector<16xf32>,
      %swap3A_329 = arith.index_cast %scan3A_76 : i32 to index
      %swap3A_330 = arith.constant 16 : index
      %swap3A_331 = tpu.vector_load %arg9[%swap3A_329, %swap3A_330] {strides = array<i32>} : memref<24x1152xf32, #tpu.memory_space<vmem>>, vector<16xf32>,
      tpu.vector_store %arg9[%swap3A_329, %swap3A_330], %gather3A_296 {strides = array<i32>} : memref<24x1152xf32, #tpu.memory_space<vmem>>, vector<16xf32>,
      %swap3A_332 = arith.index_cast %scan3A_76 : i32 to index
      %swap3A_333 = arith.constant 32 : index
      %swap3A_334 = tpu.vector_load %arg9[%swap3A_332, %swap3A_333] {strides = array<i32>} : memref<24x1152xf32, #tpu.memory_space<vmem>>, vector<16xf32>,
      tpu.vector_store %arg9[%swap3A_332, %swap3A_333], %gather3A_299 {strides = array<i32>} : memref<24x1152xf32, #tpu.memory_space<vmem>>, vector<16xf32>,
      %swap3A_335 = arith.index_cast %scan3A_76 : i32 to index
      %swap3A_336 = arith.constant 48 : index
      %swap3A_337 = tpu.vector_load %arg9[%swap3A_335, %swap3A_336] {strides = array<i32>} : memref<24x1152xf32, #tpu.memory_space<vmem>>, vector<16xf32>,
      tpu.vector_store %arg9[%swap3A_335, %swap3A_336], %gather3A_302 {strides = array<i32>} : memref<24x1152xf32, #tpu.memory_space<vmem>>, vector<16xf32>,
      %swap3A_338 = arith.index_cast %scan3A_76 : i32 to index
      %swap3A_339 = arith.constant 64 : index
      %swap3A_340 = tpu.vector_load %arg9[%swap3A_338, %swap3A_339] {strides = array<i32>} : memref<24x1152xf32, #tpu.memory_space<vmem>>, vector<16xf32>,
      tpu.vector_store %arg9[%swap3A_338, %swap3A_339], %gather3A_305 {strides = array<i32>} : memref<24x1152xf32, #tpu.memory_space<vmem>>, vector<16xf32>,
      %swap3A_341 = arith.index_cast %scan3A_76 : i32 to index
      %swap3A_342 = arith.constant 80 : index
      %swap3A_343 = tpu.vector_load %arg9[%swap3A_341, %swap3A_342] {strides = array<i32>} : memref<24x1152xf32, #tpu.memory_space<vmem>>, vector<16xf32>,
      tpu.vector_store %arg9[%swap3A_341, %swap3A_342], %gather3A_308 {strides = array<i32>} : memref<24x1152xf32, #tpu.memory_space<vmem>>, vector<16xf32>,
      %swap3A_344 = arith.index_cast %scan3A_76 : i32 to index
      %swap3A_345 = arith.constant 96 : index
      %swap3A_346 = tpu.vector_load %arg9[%swap3A_344, %swap3A_345] {strides = array<i32>} : memref<24x1152xf32, #tpu.memory_space<vmem>>, vector<16xf32>,
      tpu.vector_store %arg9[%swap3A_344, %swap3A_345], %gather3A_311 {strides = array<i32>} : memref<24x1152xf32, #tpu.memory_space<vmem>>, vector<16xf32>,
      %swap3A_347 = arith.index_cast %scan3A_76 : i32 to index
      %swap3A_348 = arith.constant 112 : index
      %swap3A_349 = tpu.vector_load %arg9[%swap3A_347, %swap3A_348] {strides = array<i32>} : memref<24x1152xf32, #tpu.memory_space<vmem>>, vector<16xf32>,
      tpu.vector_store %arg9[%swap3A_347, %swap3A_348], %gather3A_314 {strides = array<i32>} : memref<24x1152xf32, #tpu.memory_space<vmem>>, vector<16xf32>,
      %swap3A_350 = arith.index_cast %scan3A_76 : i32 to index
      %swap3A_351 = arith.constant 128 : index
      %swap3A_352 = tpu.vector_load %arg9[%swap3A_350, %swap3A_351] {strides = array<i32>} : memref<24x1152xf32, #tpu.memory_space<vmem>>, vector<16xf32>,
      tpu.vector_store %arg9[%swap3A_350, %swap3A_351], %gather3A_317 {strides = array<i32>} : memref<24x1152xf32, #tpu.memory_space<vmem>>, vector<16xf32>,
      %swap3A_353 = arith.index_cast %scan3A_76 : i32 to index
      %swap3A_354 = arith.constant 144 : index
      %swap3A_355 = tpu.vector_load %arg9[%swap3A_353, %swap3A_354] {strides = array<i32>} : memref<24x1152xf32, #tpu.memory_space<vmem>>, vector<16xf32>,
      tpu.vector_store %arg9[%swap3A_353, %swap3A_354], %gather3A_320 {strides = array<i32>} : memref<24x1152xf32, #tpu.memory_space<vmem>>, vector<16xf32>,
      %swap3A_356 = arith.index_cast %scan3A_76 : i32 to index
      %swap3A_357 = arith.constant 160 : index
      %swap3A_358 = tpu.vector_load %arg9[%swap3A_356, %swap3A_357] {strides = array<i32>} : memref<24x1152xf32, #tpu.memory_space<vmem>>, vector<16xf32>,
      tpu.vector_store %arg9[%swap3A_356, %swap3A_357], %gather3A_323 {strides = array<i32>} : memref<24x1152xf32, #tpu.memory_space<vmem>>, vector<16xf32>,
      %swap3A_359 = arith.index_cast %scan3A_76 : i32 to index
      %swap3A_360 = arith.constant 176 : index
      %swap3A_361 = tpu.vector_load %arg9[%swap3A_359, %swap3A_360] {strides = array<i32>} : memref<24x1152xf32, #tpu.memory_space<vmem>>, vector<16xf32>,
      tpu.vector_store %arg9[%swap3A_359, %swap3A_360], %gather3A_326 {strides = array<i32>} : memref<24x1152xf32, #tpu.memory_space<vmem>>, vector<16xf32>,
      %get3A_362 = arith.index_cast %add3A_107 : i32 to index
      %get3A_363 = tpu.vector_load %arg8[%get3A_362] {strides = array<i32>} : memref<13824xi32, #tpu.memory_space<vmem>>, vector<16xi32>,
      %gather3A_364 = tpu.vector_load_idx %arg6[%get3A_363] : memref<2304xf32, #tpu.memory_space<vmem>>[vector<16xi32>], vector<16xf32>,
      %get3A_365 = arith.index_cast %add3A_109 : i32 to index
      %get3A_366 = tpu.vector_load %arg8[%get3A_365] {strides = array<i32>} : memref<13824xi32, #tpu.memory_space<vmem>>, vector<16xi32>,
      %gather3A_367 = tpu.vector_load_idx %arg6[%get3A_366] : memref<2304xf32, #tpu.memory_space<vmem>>[vector<16xi32>], vector<16xf32>,
      %get3A_368 = arith.index_cast %add3A_111 : i32 to index
      %get3A_369 = tpu.vector_load %arg8[%get3A_368] {strides = array<i32>} : memref<13824xi32, #tpu.memory_space<vmem>>, vector<16xi32>,
      %gather3A_370 = tpu.vector_load_idx %arg6[%get3A_369] : memref<2304xf32, #tpu.memory_space<vmem>>[vector<16xi32>], vector<16xf32>,
      %get3A_371 = arith.index_cast %add3A_113 : i32 to index
      %get3A_372 = tpu.vector_load %arg8[%get3A_371] {strides = array<i32>} : memref<13824xi32, #tpu.memory_space<vmem>>, vector<16xi32>,
      %gather3A_373 = tpu.vector_load_idx %arg6[%get3A_372] : memref<2304xf32, #tpu.memory_space<vmem>>[vector<16xi32>], vector<16xf32>,
      %get3A_374 = arith.index_cast %add3A_115 : i32 to index
      %get3A_375 = tpu.vector_load %arg8[%get3A_374] {strides = array<i32>} : memref<13824xi32, #tpu.memory_space<vmem>>, vector<16xi32>,
      %gather3A_376 = tpu.vector_load_idx %arg6[%get3A_375] : memref<2304xf32, #tpu.memory_space<vmem>>[vector<16xi32>], vector<16xf32>,
      %get3A_377 = arith.index_cast %add3A_117 : i32 to index
      %get3A_378 = tpu.vector_load %arg8[%get3A_377] {strides = array<i32>} : memref<13824xi32, #tpu.memory_space<vmem>>, vector<16xi32>,
      %gather3A_379 = tpu.vector_load_idx %arg6[%get3A_378] : memref<2304xf32, #tpu.memory_space<vmem>>[vector<16xi32>], vector<16xf32>,
      %get3A_380 = arith.index_cast %add3A_119 : i32 to index
      %get3A_381 = tpu.vector_load %arg8[%get3A_380] {strides = array<i32>} : memref<13824xi32, #tpu.memory_space<vmem>>, vector<16xi32>,
      %gather3A_382 = tpu.vector_load_idx %arg6[%get3A_381] : memref<2304xf32, #tpu.memory_space<vmem>>[vector<16xi32>], vector<16xf32>,
      %get3A_383 = arith.index_cast %add3A_121 : i32 to index
      %get3A_384 = tpu.vector_load %arg8[%get3A_383] {strides = array<i32>} : memref<13824xi32, #tpu.memory_space<vmem>>, vector<16xi32>,
      %gather3A_385 = tpu.vector_load_idx %arg6[%get3A_384] : memref<2304xf32, #tpu.memory_space<vmem>>[vector<16xi32>], vector<16xf32>,
      %get3A_386 = arith.index_cast %add3A_123 : i32 to index
      %get3A_387 = tpu.vector_load %arg8[%get3A_386] {strides = array<i32>} : memref<13824xi32, #tpu.memory_space<vmem>>, vector<16xi32>,
      %gather3A_388 = tpu.vector_load_idx %arg6[%get3A_387] : memref<2304xf32, #tpu.memory_space<vmem>>[vector<16xi32>], vector<16xf32>,
      %get3A_389 = arith.index_cast %add3A_125 : i32 to index
      %get3A_390 = tpu.vector_load %arg8[%get3A_389] {strides = array<i32>} : memref<13824xi32, #tpu.memory_space<vmem>>, vector<16xi32>,
      %gather3A_391 = tpu.vector_load_idx %arg6[%get3A_390] : memref<2304xf32, #tpu.memory_space<vmem>>[vector<16xi32>], vector<16xf32>,
      %get3A_392 = arith.index_cast %add3A_127 : i32 to index
      %get3A_393 = tpu.vector_load %arg8[%get3A_392] {strides = array<i32>} : memref<13824xi32, #tpu.memory_space<vmem>>, vector<16xi32>,
      %gather3A_394 = tpu.vector_load_idx %arg6[%get3A_393] : memref<2304xf32, #tpu.memory_space<vmem>>[vector<16xi32>], vector<16xf32>,
      %get3A_395 = arith.index_cast %add3A_129 : i32 to index
      %get3A_396 = tpu.vector_load %arg8[%get3A_395] {strides = array<i32>} : memref<13824xi32, #tpu.memory_space<vmem>>, vector<16xi32>,
      %gather3A_397 = tpu.vector_load_idx %arg6[%get3A_396] : memref<2304xf32, #tpu.memory_space<vmem>>[vector<16xi32>], vector<16xf32>,
      %swap3A_398 = arith.index_cast %scan3A_76 : i32 to index
      %swap3A_399 = arith.constant 192 : index
      %swap3A_400 = tpu.vector_load %arg9[%swap3A_398, %swap3A_399] {strides = array<i32>} : memref<24x1152xf32, #tpu.memory_space<vmem>>, vector<16xf32>,
      tpu.vector_store %arg9[%swap3A_398, %swap3A_399], %gather3A_364 {strides = array<i32>} : memref<24x1152xf32, #tpu.memory_space<vmem>>, vector<16xf32>,
      %swap3A_401 = arith.index_cast %scan3A_76 : i32 to index
      %swap3A_402 = arith.constant 208 : index
      %swap3A_403 = tpu.vector_load %arg9[%swap3A_401, %swap3A_402] {strides = array<i32>} : memref<24x1152xf32, #tpu.memory_space<vmem>>, vector<16xf32>,
      tpu.vector_store %arg9[%swap3A_401, %swap3A_402], %gather3A_367 {strides = array<i32>} : memref<24x1152xf32, #tpu.memory_space<vmem>>, vector<16xf32>,
      %swap3A_404 = arith.index_cast %scan3A_76 : i32 to index
      %swap3A_405 = arith.constant 224 : index
      %swap3A_406 = tpu.vector_load %arg9[%swap3A_404, %swap3A_405] {strides = array<i32>} : memref<24x1152xf32, #tpu.memory_space<vmem>>, vector<16xf32>,
      tpu.vector_store %arg9[%swap3A_404, %swap3A_405], %gather3A_370 {strides = array<i32>} : memref<24x1152xf32, #tpu.memory_space<vmem>>, vector<16xf32>,
      %swap3A_407 = arith.index_cast %scan3A_76 : i32 to index
      %swap3A_408 = arith.constant 240 : index
      %swap3A_409 = tpu.vector_load %arg9[%swap3A_407, %swap3A_408] {strides = array<i32>} : memref<24x1152xf32, #tpu.memory_space<vmem>>, vector<16xf32>,
      tpu.vector_store %arg9[%swap3A_407, %swap3A_408], %gather3A_373 {strides = array<i32>} : memref<24x1152xf32, #tpu.memory_space<vmem>>, vector<16xf32>,
      %swap3A_410 = arith.index_cast %scan3A_76 : i32 to index
      %swap3A_411 = arith.constant 256 : index
      %swap3A_412 = tpu.vector_load %arg9[%swap3A_410, %swap3A_411] {strides = array<i32>} : memref<24x1152xf32, #tpu.memory_space<vmem>>, vector<16xf32>,
      tpu.vector_store %arg9[%swap3A_410, %swap3A_411], %gather3A_376 {strides = array<i32>} : memref<24x1152xf32, #tpu.memory_space<vmem>>, vector<16xf32>,
      %swap3A_413 = arith.index_cast %scan3A_76 : i32 to index
      %swap3A_414 = arith.constant 272 : index
      %swap3A_415 = tpu.vector_load %arg9[%swap3A_413, %swap3A_414] {strides = array<i32>} : memref<24x1152xf32, #tpu.memory_space<vmem>>, vector<16xf32>,
      tpu.vector_store %arg9[%swap3A_413, %swap3A_414], %gather3A_379 {strides = array<i32>} : memref<24x1152xf32, #tpu.memory_space<vmem>>, vector<16xf32>,
      %swap3A_416 = arith.index_cast %scan3A_76 : i32 to index
      %swap3A_417 = arith.constant 288 : index
      %swap3A_418 = tpu.vector_load %arg9[%swap3A_416, %swap3A_417] {strides = array<i32>} : memref<24x1152xf32, #tpu.memory_space<vmem>>, vector<16xf32>,
      tpu.vector_store %arg9[%swap3A_416, %swap3A_417], %gather3A_382 {strides = array<i32>} : memref<24x1152xf32, #tpu.memory_space<vmem>>, vector<16xf32>,
      %swap3A_419 = arith.index_cast %scan3A_76 : i32 to index
      %swap3A_420 = arith.constant 304 : index
      %swap3A_421 = tpu.vector_load %arg9[%swap3A_419, %swap3A_420] {strides = array<i32>} : memref<24x1152xf32, #tpu.memory_space<vmem>>, vector<16xf32>,
      tpu.vector_store %arg9[%swap3A_419, %swap3A_420], %gather3A_385 {strides = array<i32>} : memref<24x1152xf32, #tpu.memory_space<vmem>>, vector<16xf32>,
      %swap3A_422 = arith.index_cast %scan3A_76 : i32 to index
      %swap3A_423 = arith.constant 320 : index
      %swap3A_424 = tpu.vector_load %arg9[%swap3A_422, %swap3A_423] {strides = array<i32>} : memref<24x1152xf32, #tpu.memory_space<vmem>>, vector<16xf32>,
      tpu.vector_store %arg9[%swap3A_422, %swap3A_423], %gather3A_388 {strides = array<i32>} : memref<24x1152xf32, #tpu.memory_space<vmem>>, vector<16xf32>,
      %swap3A_425 = arith.index_cast %scan3A_76 : i32 to index
      %swap3A_426 = arith.constant 336 : index
      %swap3A_427 = tpu.vector_load %arg9[%swap3A_425, %swap3A_426] {strides = array<i32>} : memref<24x1152xf32, #tpu.memory_space<vmem>>, vector<16xf32>,
      tpu.vector_store %arg9[%swap3A_425, %swap3A_426], %gather3A_391 {strides = array<i32>} : memref<24x1152xf32, #tpu.memory_space<vmem>>, vector<16xf32>,
      %swap3A_428 = arith.index_cast %scan3A_76 : i32 to index
      %swap3A_429 = arith.constant 352 : index
      %swap3A_430 = tpu.vector_load %arg9[%swap3A_428, %swap3A_429] {strides = array<i32>} : memref<24x1152xf32, #tpu.memory_space<vmem>>, vector<16xf32>,
      tpu.vector_store %arg9[%swap3A_428, %swap3A_429], %gather3A_394 {strides = array<i32>} : memref<24x1152xf32, #tpu.memory_space<vmem>>, vector<16xf32>,
      %swap3A_431 = arith.index_cast %scan3A_76 : i32 to index
      %swap3A_432 = arith.constant 368 : index
      %swap3A_433 = tpu.vector_load %arg9[%swap3A_431, %swap3A_432] {strides = array<i32>} : memref<24x1152xf32, #tpu.memory_space<vmem>>, vector<16xf32>,
      tpu.vector_store %arg9[%swap3A_431, %swap3A_432], %gather3A_397 {strides = array<i32>} : memref<24x1152xf32, #tpu.memory_space<vmem>>, vector<16xf32>,
      %get3A_434 = arith.index_cast %add3A_131 : i32 to index
      %get3A_435 = tpu.vector_load %arg8[%get3A_434] {strides = array<i32>} : memref<13824xi32, #tpu.memory_space<vmem>>, vector<16xi32>,
      %gather3A_436 = tpu.vector_load_idx %arg6[%get3A_435] : memref<2304xf32, #tpu.memory_space<vmem>>[vector<16xi32>], vector<16xf32>,
      %get3A_437 = arith.index_cast %add3A_133 : i32 to index
      %get3A_438 = tpu.vector_load %arg8[%get3A_437] {strides = array<i32>} : memref<13824xi32, #tpu.memory_space<vmem>>, vector<16xi32>,
      %gather3A_439 = tpu.vector_load_idx %arg6[%get3A_438] : memref<2304xf32, #tpu.memory_space<vmem>>[vector<16xi32>], vector<16xf32>,
      %get3A_440 = arith.index_cast %add3A_135 : i32 to index
      %get3A_441 = tpu.vector_load %arg8[%get3A_440] {strides = array<i32>} : memref<13824xi32, #tpu.memory_space<vmem>>, vector<16xi32>,
      %gather3A_442 = tpu.vector_load_idx %arg6[%get3A_441] : memref<2304xf32, #tpu.memory_space<vmem>>[vector<16xi32>], vector<16xf32>,
      %get3A_443 = arith.index_cast %add3A_137 : i32 to index
      %get3A_444 = tpu.vector_load %arg8[%get3A_443] {strides = array<i32>} : memref<13824xi32, #tpu.memory_space<vmem>>, vector<16xi32>,
      %gather3A_445 = tpu.vector_load_idx %arg6[%get3A_444] : memref<2304xf32, #tpu.memory_space<vmem>>[vector<16xi32>], vector<16xf32>,
      %get3A_446 = arith.index_cast %add3A_139 : i32 to index
      %get3A_447 = tpu.vector_load %arg8[%get3A_446] {strides = array<i32>} : memref<13824xi32, #tpu.memory_space<vmem>>, vector<16xi32>,
      %gather3A_448 = tpu.vector_load_idx %arg6[%get3A_447] : memref<2304xf32, #tpu.memory_space<vmem>>[vector<16xi32>], vector<16xf32>,
      %get3A_449 = arith.index_cast %add3A_141 : i32 to index
      %get3A_450 = tpu.vector_load %arg8[%get3A_449] {strides = array<i32>} : memref<13824xi32, #tpu.memory_space<vmem>>, vector<16xi32>,
      %gather3A_451 = tpu.vector_load_idx %arg6[%get3A_450] : memref<2304xf32, #tpu.memory_space<vmem>>[vector<16xi32>], vector<16xf32>,
      %get3A_452 = arith.index_cast %add3A_143 : i32 to index
      %get3A_453 = tpu.vector_load %arg8[%get3A_452] {strides = array<i32>} : memref<13824xi32, #tpu.memory_space<vmem>>, vector<16xi32>,
      %gather3A_454 = tpu.vector_load_idx %arg6[%get3A_453] : memref<2304xf32, #tpu.memory_space<vmem>>[vector<16xi32>], vector<16xf32>,
      %get3A_455 = arith.index_cast %add3A_145 : i32 to index
      %get3A_456 = tpu.vector_load %arg8[%get3A_455] {strides = array<i32>} : memref<13824xi32, #tpu.memory_space<vmem>>, vector<16xi32>,
      %gather3A_457 = tpu.vector_load_idx %arg6[%get3A_456] : memref<2304xf32, #tpu.memory_space<vmem>>[vector<16xi32>], vector<16xf32>,
      %get3A_458 = arith.index_cast %add3A_147 : i32 to index
      %get3A_459 = tpu.vector_load %arg8[%get3A_458] {strides = array<i32>} : memref<13824xi32, #tpu.memory_space<vmem>>, vector<16xi32>,
      %gather3A_460 = tpu.vector_load_idx %arg6[%get3A_459] : memref<2304xf32, #tpu.memory_space<vmem>>[vector<16xi32>], vector<16xf32>,
      %get3A_461 = arith.index_cast %add3A_149 : i32 to index
      %get3A_462 = tpu.vector_load %arg8[%get3A_461] {strides = array<i32>} : memref<13824xi32, #tpu.memory_space<vmem>>, vector<16xi32>,
      %gather3A_463 = tpu.vector_load_idx %arg6[%get3A_462] : memref<2304xf32, #tpu.memory_space<vmem>>[vector<16xi32>], vector<16xf32>,
      %get3A_464 = arith.index_cast %add3A_151 : i32 to index
      %get3A_465 = tpu.vector_load %arg8[%get3A_464] {strides = array<i32>} : memref<13824xi32, #tpu.memory_space<vmem>>, vector<16xi32>,
      %gather3A_466 = tpu.vector_load_idx %arg6[%get3A_465] : memref<2304xf32, #tpu.memory_space<vmem>>[vector<16xi32>], vector<16xf32>,
      %get3A_467 = arith.index_cast %add3A_153 : i32 to index
      %get3A_468 = tpu.vector_load %arg8[%get3A_467] {strides = array<i32>} : memref<13824xi32, #tpu.memory_space<vmem>>, vector<16xi32>,
      %gather3A_469 = tpu.vector_load_idx %arg6[%get3A_468] : memref<2304xf32, #tpu.memory_space<vmem>>[vector<16xi32>], vector<16xf32>,
      %swap3A_470 = arith.index_cast %scan3A_76 : i32 to index
      %swap3A_471 = arith.constant 384 : index
      %swap3A_472 = tpu.vector_load %arg9[%swap3A_470, %swap3A_471] {strides = array<i32>} : memref<24x1152xf32, #tpu.memory_space<vmem>>, vector<16xf32>,
      tpu.vector_store %arg9[%swap3A_470, %swap3A_471], %gather3A_436 {strides = array<i32>} : memref<24x1152xf32, #tpu.memory_space<vmem>>, vector<16xf32>,
      %swap3A_473 = arith.index_cast %scan3A_76 : i32 to index
      %swap3A_474 = arith.constant 400 : index
      %swap3A_475 = tpu.vector_load %arg9[%swap3A_473, %swap3A_474] {strides = array<i32>} : memref<24x1152xf32, #tpu.memory_space<vmem>>, vector<16xf32>,
      tpu.vector_store %arg9[%swap3A_473, %swap3A_474], %gather3A_439 {strides = array<i32>} : memref<24x1152xf32, #tpu.memory_space<vmem>>, vector<16xf32>,
      %swap3A_476 = arith.index_cast %scan3A_76 : i32 to index
      %swap3A_477 = arith.constant 416 : index
      %swap3A_478 = tpu.vector_load %arg9[%swap3A_476, %swap3A_477] {strides = array<i32>} : memref<24x1152xf32, #tpu.memory_space<vmem>>, vector<16xf32>,
      tpu.vector_store %arg9[%swap3A_476, %swap3A_477], %gather3A_442 {strides = array<i32>} : memref<24x1152xf32, #tpu.memory_space<vmem>>, vector<16xf32>,
      %swap3A_479 = arith.index_cast %scan3A_76 : i32 to index
      %swap3A_480 = arith.constant 432 : index
      %swap3A_481 = tpu.vector_load %arg9[%swap3A_479, %swap3A_480] {strides = array<i32>} : memref<24x1152xf32, #tpu.memory_space<vmem>>, vector<16xf32>,
      tpu.vector_store %arg9[%swap3A_479, %swap3A_480], %gather3A_445 {strides = array<i32>} : memref<24x1152xf32, #tpu.memory_space<vmem>>, vector<16xf32>,
      %swap3A_482 = arith.index_cast %scan3A_76 : i32 to index
      %swap3A_483 = arith.constant 448 : index
      %swap3A_484 = tpu.vector_load %arg9[%swap3A_482, %swap3A_483] {strides = array<i32>} : memref<24x1152xf32, #tpu.memory_space<vmem>>, vector<16xf32>,
      tpu.vector_store %arg9[%swap3A_482, %swap3A_483], %gather3A_448 {strides = array<i32>} : memref<24x1152xf32, #tpu.memory_space<vmem>>, vector<16xf32>,
      %swap3A_485 = arith.index_cast %scan3A_76 : i32 to index
      %swap3A_486 = arith.constant 464 : index
      %swap3A_487 = tpu.vector_load %arg9[%swap3A_485, %swap3A_486] {strides = array<i32>} : memref<24x1152xf32, #tpu.memory_space<vmem>>, vector<16xf32>,
      tpu.vector_store %arg9[%swap3A_485, %swap3A_486], %gather3A_451 {strides = array<i32>} : memref<24x1152xf32, #tpu.memory_space<vmem>>, vector<16xf32>,
      %swap3A_488 = arith.index_cast %scan3A_76 : i32 to index
      %swap3A_489 = arith.constant 480 : index
      %swap3A_490 = tpu.vector_load %arg9[%swap3A_488, %swap3A_489] {strides = array<i32>} : memref<24x1152xf32, #tpu.memory_space<vmem>>, vector<16xf32>,
      tpu.vector_store %arg9[%swap3A_488, %swap3A_489], %gather3A_454 {strides = array<i32>} : memref<24x1152xf32, #tpu.memory_space<vmem>>, vector<16xf32>,
      %swap3A_491 = arith.index_cast %scan3A_76 : i32 to index
      %swap3A_492 = arith.constant 496 : index
      %swap3A_493 = tpu.vector_load %arg9[%swap3A_491, %swap3A_492] {strides = array<i32>} : memref<24x1152xf32, #tpu.memory_space<vmem>>, vector<16xf32>,
      tpu.vector_store %arg9[%swap3A_491, %swap3A_492], %gather3A_457 {strides = array<i32>} : memref<24x1152xf32, #tpu.memory_space<vmem>>, vector<16xf32>,
      %swap3A_494 = arith.index_cast %scan3A_76 : i32 to index
      %swap3A_495 = arith.constant 512 : index
      %swap3A_496 = tpu.vector_load %arg9[%swap3A_494, %swap3A_495] {strides = array<i32>} : memref<24x1152xf32, #tpu.memory_space<vmem>>, vector<16xf32>,
      tpu.vector_store %arg9[%swap3A_494, %swap3A_495], %gather3A_460 {strides = array<i32>} : memref<24x1152xf32, #tpu.memory_space<vmem>>, vector<16xf32>,
      %swap3A_497 = arith.index_cast %scan3A_76 : i32 to index
      %swap3A_498 = arith.constant 528 : index
      %swap3A_499 = tpu.vector_load %arg9[%swap3A_497, %swap3A_498] {strides = array<i32>} : memref<24x1152xf32, #tpu.memory_space<vmem>>, vector<16xf32>,
      tpu.vector_store %arg9[%swap3A_497, %swap3A_498], %gather3A_463 {strides = array<i32>} : memref<24x1152xf32, #tpu.memory_space<vmem>>, vector<16xf32>,
      %swap3A_500 = arith.index_cast %scan3A_76 : i32 to index
      %swap3A_501 = arith.constant 544 : index
      %swap3A_502 = tpu.vector_load %arg9[%swap3A_500, %swap3A_501] {strides = array<i32>} : memref<24x1152xf32, #tpu.memory_space<vmem>>, vector<16xf32>,
      tpu.vector_store %arg9[%swap3A_500, %swap3A_501], %gather3A_466 {strides = array<i32>} : memref<24x1152xf32, #tpu.memory_space<vmem>>, vector<16xf32>,
      %swap3A_503 = arith.index_cast %scan3A_76 : i32 to index
      %swap3A_504 = arith.constant 560 : index
      %swap3A_505 = tpu.vector_load %arg9[%swap3A_503, %swap3A_504] {strides = array<i32>} : memref<24x1152xf32, #tpu.memory_space<vmem>>, vector<16xf32>,
      tpu.vector_store %arg9[%swap3A_503, %swap3A_504], %gather3A_469 {strides = array<i32>} : memref<24x1152xf32, #tpu.memory_space<vmem>>, vector<16xf32>,
      %get3A_506 = arith.index_cast %add3A_157 : i32 to index
      %get3A_507 = tpu.vector_load %arg7[%get3A_506] {strides = array<i32>} : memref<13824xi32, #tpu.memory_space<vmem>>, vector<16xi32>,
      %gather3A_508 = tpu.vector_load_idx %arg6[%get3A_507] : memref<2304xf32, #tpu.memory_space<vmem>>[vector<16xi32>], vector<16xf32>,
      %get3A_509 = arith.index_cast %add3A_161 : i32 to index
      %get3A_510 = tpu.vector_load %arg7[%get3A_509] {strides = array<i32>} : memref<13824xi32, #tpu.memory_space<vmem>>, vector<16xi32>,
      %gather3A_511 = tpu.vector_load_idx %arg6[%get3A_510] : memref<2304xf32, #tpu.memory_space<vmem>>[vector<16xi32>], vector<16xf32>,
      %get3A_512 = arith.index_cast %add3A_165 : i32 to index
      %get3A_513 = tpu.vector_load %arg7[%get3A_512] {strides = array<i32>} : memref<13824xi32, #tpu.memory_space<vmem>>, vector<16xi32>,
      %gather3A_514 = tpu.vector_load_idx %arg6[%get3A_513] : memref<2304xf32, #tpu.memory_space<vmem>>[vector<16xi32>], vector<16xf32>,
      %get3A_515 = arith.index_cast %add3A_169 : i32 to index
      %get3A_516 = tpu.vector_load %arg7[%get3A_515] {strides = array<i32>} : memref<13824xi32, #tpu.memory_space<vmem>>, vector<16xi32>,
      %gather3A_517 = tpu.vector_load_idx %arg6[%get3A_516] : memref<2304xf32, #tpu.memory_space<vmem>>[vector<16xi32>], vector<16xf32>,
      %get3A_518 = arith.index_cast %add3A_173 : i32 to index
      %get3A_519 = tpu.vector_load %arg7[%get3A_518] {strides = array<i32>} : memref<13824xi32, #tpu.memory_space<vmem>>, vector<16xi32>,
      %gather3A_520 = tpu.vector_load_idx %arg6[%get3A_519] : memref<2304xf32, #tpu.memory_space<vmem>>[vector<16xi32>], vector<16xf32>,
      %get3A_521 = arith.index_cast %add3A_177 : i32 to index
      %get3A_522 = tpu.vector_load %arg7[%get3A_521] {strides = array<i32>} : memref<13824xi32, #tpu.memory_space<vmem>>, vector<16xi32>,
      %gather3A_523 = tpu.vector_load_idx %arg6[%get3A_522] : memref<2304xf32, #tpu.memory_space<vmem>>[vector<16xi32>], vector<16xf32>,
      %get3A_524 = arith.index_cast %add3A_181 : i32 to index
      %get3A_525 = tpu.vector_load %arg7[%get3A_524] {strides = array<i32>} : memref<13824xi32, #tpu.memory_space<vmem>>, vector<16xi32>,
      %gather3A_526 = tpu.vector_load_idx %arg6[%get3A_525] : memref<2304xf32, #tpu.memory_space<vmem>>[vector<16xi32>], vector<16xf32>,
      %get3A_527 = arith.index_cast %add3A_185 : i32 to index
      %get3A_528 = tpu.vector_load %arg7[%get3A_527] {strides = array<i32>} : memref<13824xi32, #tpu.memory_space<vmem>>, vector<16xi32>,
      %gather3A_529 = tpu.vector_load_idx %arg6[%get3A_528] : memref<2304xf32, #tpu.memory_space<vmem>>[vector<16xi32>], vector<16xf32>,
      %get3A_530 = arith.index_cast %add3A_189 : i32 to index
      %get3A_531 = tpu.vector_load %arg7[%get3A_530] {strides = array<i32>} : memref<13824xi32, #tpu.memory_space<vmem>>, vector<16xi32>,
      %gather3A_532 = tpu.vector_load_idx %arg6[%get3A_531] : memref<2304xf32, #tpu.memory_space<vmem>>[vector<16xi32>], vector<16xf32>,
      %get3A_533 = arith.index_cast %add3A_193 : i32 to index
      %get3A_534 = tpu.vector_load %arg7[%get3A_533] {strides = array<i32>} : memref<13824xi32, #tpu.memory_space<vmem>>, vector<16xi32>,
      %gather3A_535 = tpu.vector_load_idx %arg6[%get3A_534] : memref<2304xf32, #tpu.memory_space<vmem>>[vector<16xi32>], vector<16xf32>,
      %get3A_536 = arith.index_cast %add3A_197 : i32 to index
      %get3A_537 = tpu.vector_load %arg7[%get3A_536] {strides = array<i32>} : memref<13824xi32, #tpu.memory_space<vmem>>, vector<16xi32>,
      %gather3A_538 = tpu.vector_load_idx %arg6[%get3A_537] : memref<2304xf32, #tpu.memory_space<vmem>>[vector<16xi32>], vector<16xf32>,
      %get3A_539 = arith.index_cast %add3A_201 : i32 to index
      %get3A_540 = tpu.vector_load %arg7[%get3A_539] {strides = array<i32>} : memref<13824xi32, #tpu.memory_space<vmem>>, vector<16xi32>,
      %gather3A_541 = tpu.vector_load_idx %arg6[%get3A_540] : memref<2304xf32, #tpu.memory_space<vmem>>[vector<16xi32>], vector<16xf32>,
      %swap3A_542 = arith.index_cast %scan3A_76 : i32 to index
      %swap3A_543 = arith.constant 576 : index
      %swap3A_544 = tpu.vector_load %arg9[%swap3A_542, %swap3A_543] {strides = array<i32>} : memref<24x1152xf32, #tpu.memory_space<vmem>>, vector<16xf32>,
      tpu.vector_store %arg9[%swap3A_542, %swap3A_543], %gather3A_508 {strides = array<i32>} : memref<24x1152xf32, #tpu.memory_space<vmem>>, vector<16xf32>,
      %swap3A_545 = arith.index_cast %scan3A_76 : i32 to index
      %swap3A_546 = arith.constant 592 : index
      %swap3A_547 = tpu.vector_load %arg9[%swap3A_545, %swap3A_546] {strides = array<i32>} : memref<24x1152xf32, #tpu.memory_space<vmem>>, vector<16xf32>,
      tpu.vector_store %arg9[%swap3A_545, %swap3A_546], %gather3A_511 {strides = array<i32>} : memref<24x1152xf32, #tpu.memory_space<vmem>>, vector<16xf32>,
      %swap3A_548 = arith.index_cast %scan3A_76 : i32 to index
      %swap3A_549 = arith.constant 608 : index
      %swap3A_550 = tpu.vector_load %arg9[%swap3A_548, %swap3A_549] {strides = array<i32>} : memref<24x1152xf32, #tpu.memory_space<vmem>>, vector<16xf32>,
      tpu.vector_store %arg9[%swap3A_548, %swap3A_549], %gather3A_514 {strides = array<i32>} : memref<24x1152xf32, #tpu.memory_space<vmem>>, vector<16xf32>,
      %swap3A_551 = arith.index_cast %scan3A_76 : i32 to index
      %swap3A_552 = arith.constant 624 : index
      %swap3A_553 = tpu.vector_load %arg9[%swap3A_551, %swap3A_552] {strides = array<i32>} : memref<24x1152xf32, #tpu.memory_space<vmem>>, vector<16xf32>,
      tpu.vector_store %arg9[%swap3A_551, %swap3A_552], %gather3A_517 {strides = array<i32>} : memref<24x1152xf32, #tpu.memory_space<vmem>>, vector<16xf32>,
      %swap3A_554 = arith.index_cast %scan3A_76 : i32 to index
      %swap3A_555 = arith.constant 640 : index
      %swap3A_556 = tpu.vector_load %arg9[%swap3A_554, %swap3A_555] {strides = array<i32>} : memref<24x1152xf32, #tpu.memory_space<vmem>>, vector<16xf32>,
      tpu.vector_store %arg9[%swap3A_554, %swap3A_555], %gather3A_520 {strides = array<i32>} : memref<24x1152xf32, #tpu.memory_space<vmem>>, vector<16xf32>,
      %swap3A_557 = arith.index_cast %scan3A_76 : i32 to index
      %swap3A_558 = arith.constant 656 : index
      %swap3A_559 = tpu.vector_load %arg9[%swap3A_557, %swap3A_558] {strides = array<i32>} : memref<24x1152xf32, #tpu.memory_space<vmem>>, vector<16xf32>,
      tpu.vector_store %arg9[%swap3A_557, %swap3A_558], %gather3A_523 {strides = array<i32>} : memref<24x1152xf32, #tpu.memory_space<vmem>>, vector<16xf32>,
      %swap3A_560 = arith.index_cast %scan3A_76 : i32 to index
      %swap3A_561 = arith.constant 672 : index
      %swap3A_562 = tpu.vector_load %arg9[%swap3A_560, %swap3A_561] {strides = array<i32>} : memref<24x1152xf32, #tpu.memory_space<vmem>>, vector<16xf32>,
      tpu.vector_store %arg9[%swap3A_560, %swap3A_561], %gather3A_526 {strides = array<i32>} : memref<24x1152xf32, #tpu.memory_space<vmem>>, vector<16xf32>,
      %swap3A_563 = arith.index_cast %scan3A_76 : i32 to index
      %swap3A_564 = arith.constant 688 : index
      %swap3A_565 = tpu.vector_load %arg9[%swap3A_563, %swap3A_564] {strides = array<i32>} : memref<24x1152xf32, #tpu.memory_space<vmem>>, vector<16xf32>,
      tpu.vector_store %arg9[%swap3A_563, %swap3A_564], %gather3A_529 {strides = array<i32>} : memref<24x1152xf32, #tpu.memory_space<vmem>>, vector<16xf32>,
      %swap3A_566 = arith.index_cast %scan3A_76 : i32 to index
      %swap3A_567 = arith.constant 704 : index
      %swap3A_568 = tpu.vector_load %arg9[%swap3A_566, %swap3A_567] {strides = array<i32>} : memref<24x1152xf32, #tpu.memory_space<vmem>>, vector<16xf32>,
      tpu.vector_store %arg9[%swap3A_566, %swap3A_567], %gather3A_532 {strides = array<i32>} : memref<24x1152xf32, #tpu.memory_space<vmem>>, vector<16xf32>,
      %swap3A_569 = arith.index_cast %scan3A_76 : i32 to index
      %swap3A_570 = arith.constant 720 : index
      %swap3A_571 = tpu.vector_load %arg9[%swap3A_569, %swap3A_570] {strides = array<i32>} : memref<24x1152xf32, #tpu.memory_space<vmem>>, vector<16xf32>,
      tpu.vector_store %arg9[%swap3A_569, %swap3A_570], %gather3A_535 {strides = array<i32>} : memref<24x1152xf32, #tpu.memory_space<vmem>>, vector<16xf32>,
      %swap3A_572 = arith.index_cast %scan3A_76 : i32 to index
      %swap3A_573 = arith.constant 736 : index
      %swap3A_574 = tpu.vector_load %arg9[%swap3A_572, %swap3A_573] {strides = array<i32>} : memref<24x1152xf32, #tpu.memory_space<vmem>>, vector<16xf32>,
      tpu.vector_store %arg9[%swap3A_572, %swap3A_573], %gather3A_538 {strides = array<i32>} : memref<24x1152xf32, #tpu.memory_space<vmem>>, vector<16xf32>,
      %swap3A_575 = arith.index_cast %scan3A_76 : i32 to index
      %swap3A_576 = arith.constant 752 : index
      %swap3A_577 = tpu.vector_load %arg9[%swap3A_575, %swap3A_576] {strides = array<i32>} : memref<24x1152xf32, #tpu.memory_space<vmem>>, vector<16xf32>,
      tpu.vector_store %arg9[%swap3A_575, %swap3A_576], %gather3A_541 {strides = array<i32>} : memref<24x1152xf32, #tpu.memory_space<vmem>>, vector<16xf32>,
      %get3A_578 = arith.index_cast %add3A_205 : i32 to index
      %get3A_579 = tpu.vector_load %arg7[%get3A_578] {strides = array<i32>} : memref<13824xi32, #tpu.memory_space<vmem>>, vector<16xi32>,
      %gather3A_580 = tpu.vector_load_idx %arg6[%get3A_579] : memref<2304xf32, #tpu.memory_space<vmem>>[vector<16xi32>], vector<16xf32>,
      %get3A_581 = arith.index_cast %add3A_209 : i32 to index
      %get3A_582 = tpu.vector_load %arg7[%get3A_581] {strides = array<i32>} : memref<13824xi32, #tpu.memory_space<vmem>>, vector<16xi32>,
      %gather3A_583 = tpu.vector_load_idx %arg6[%get3A_582] : memref<2304xf32, #tpu.memory_space<vmem>>[vector<16xi32>], vector<16xf32>,
      %get3A_584 = arith.index_cast %add3A_213 : i32 to index
      %get3A_585 = tpu.vector_load %arg7[%get3A_584] {strides = array<i32>} : memref<13824xi32, #tpu.memory_space<vmem>>, vector<16xi32>,
      %gather3A_586 = tpu.vector_load_idx %arg6[%get3A_585] : memref<2304xf32, #tpu.memory_space<vmem>>[vector<16xi32>], vector<16xf32>,
      %get3A_587 = arith.index_cast %add3A_217 : i32 to index
      %get3A_588 = tpu.vector_load %arg7[%get3A_587] {strides = array<i32>} : memref<13824xi32, #tpu.memory_space<vmem>>, vector<16xi32>,
      %gather3A_589 = tpu.vector_load_idx %arg6[%get3A_588] : memref<2304xf32, #tpu.memory_space<vmem>>[vector<16xi32>], vector<16xf32>,
      %get3A_590 = arith.index_cast %add3A_221 : i32 to index
      %get3A_591 = tpu.vector_load %arg7[%get3A_590] {strides = array<i32>} : memref<13824xi32, #tpu.memory_space<vmem>>, vector<16xi32>,
      %gather3A_592 = tpu.vector_load_idx %arg6[%get3A_591] : memref<2304xf32, #tpu.memory_space<vmem>>[vector<16xi32>], vector<16xf32>,
      %get3A_593 = arith.index_cast %add3A_225 : i32 to index
      %get3A_594 = tpu.vector_load %arg7[%get3A_593] {strides = array<i32>} : memref<13824xi32, #tpu.memory_space<vmem>>, vector<16xi32>,
      %gather3A_595 = tpu.vector_load_idx %arg6[%get3A_594] : memref<2304xf32, #tpu.memory_space<vmem>>[vector<16xi32>], vector<16xf32>,
      %get3A_596 = arith.index_cast %add3A_229 : i32 to index
      %get3A_597 = tpu.vector_load %arg7[%get3A_596] {strides = array<i32>} : memref<13824xi32, #tpu.memory_space<vmem>>, vector<16xi32>,
      %gather3A_598 = tpu.vector_load_idx %arg6[%get3A_597] : memref<2304xf32, #tpu.memory_space<vmem>>[vector<16xi32>], vector<16xf32>,
      %get3A_599 = arith.index_cast %add3A_233 : i32 to index
      %get3A_600 = tpu.vector_load %arg7[%get3A_599] {strides = array<i32>} : memref<13824xi32, #tpu.memory_space<vmem>>, vector<16xi32>,
      %gather3A_601 = tpu.vector_load_idx %arg6[%get3A_600] : memref<2304xf32, #tpu.memory_space<vmem>>[vector<16xi32>], vector<16xf32>,
      %get3A_602 = arith.index_cast %add3A_237 : i32 to index
      %get3A_603 = tpu.vector_load %arg7[%get3A_602] {strides = array<i32>} : memref<13824xi32, #tpu.memory_space<vmem>>, vector<16xi32>,
      %gather3A_604 = tpu.vector_load_idx %arg6[%get3A_603] : memref<2304xf32, #tpu.memory_space<vmem>>[vector<16xi32>], vector<16xf32>,
      %get3A_605 = arith.index_cast %add3A_241 : i32 to index
      %get3A_606 = tpu.vector_load %arg7[%get3A_605] {strides = array<i32>} : memref<13824xi32, #tpu.memory_space<vmem>>, vector<16xi32>,
      %gather3A_607 = tpu.vector_load_idx %arg6[%get3A_606] : memref<2304xf32, #tpu.memory_space<vmem>>[vector<16xi32>], vector<16xf32>,
      %get3A_608 = arith.index_cast %add3A_245 : i32 to index
      %get3A_609 = tpu.vector_load %arg7[%get3A_608] {strides = array<i32>} : memref<13824xi32, #tpu.memory_space<vmem>>, vector<16xi32>,
      %gather3A_610 = tpu.vector_load_idx %arg6[%get3A_609] : memref<2304xf32, #tpu.memory_space<vmem>>[vector<16xi32>], vector<16xf32>,
      %get3A_611 = arith.index_cast %add3A_249 : i32 to index
      %get3A_612 = tpu.vector_load %arg7[%get3A_611] {strides = array<i32>} : memref<13824xi32, #tpu.memory_space<vmem>>, vector<16xi32>,
      %gather3A_613 = tpu.vector_load_idx %arg6[%get3A_612] : memref<2304xf32, #tpu.memory_space<vmem>>[vector<16xi32>], vector<16xf32>,
      %swap3A_614 = arith.index_cast %scan3A_76 : i32 to index
      %swap3A_615 = arith.constant 768 : index
      %swap3A_616 = tpu.vector_load %arg9[%swap3A_614, %swap3A_615] {strides = array<i32>} : memref<24x1152xf32, #tpu.memory_space<vmem>>, vector<16xf32>,
      tpu.vector_store %arg9[%swap3A_614, %swap3A_615], %gather3A_580 {strides = array<i32>} : memref<24x1152xf32, #tpu.memory_space<vmem>>, vector<16xf32>,
      %swap3A_617 = arith.index_cast %scan3A_76 : i32 to index
      %swap3A_618 = arith.constant 784 : index
      %swap3A_619 = tpu.vector_load %arg9[%swap3A_617, %swap3A_618] {strides = array<i32>} : memref<24x1152xf32, #tpu.memory_space<vmem>>, vector<16xf32>,
      tpu.vector_store %arg9[%swap3A_617, %swap3A_618], %gather3A_583 {strides = array<i32>} : memref<24x1152xf32, #tpu.memory_space<vmem>>, vector<16xf32>,
      %swap3A_620 = arith.index_cast %scan3A_76 : i32 to index
      %swap3A_621 = arith.constant 800 : index
      %swap3A_622 = tpu.vector_load %arg9[%swap3A_620, %swap3A_621] {strides = array<i32>} : memref<24x1152xf32, #tpu.memory_space<vmem>>, vector<16xf32>,
      tpu.vector_store %arg9[%swap3A_620, %swap3A_621], %gather3A_586 {strides = array<i32>} : memref<24x1152xf32, #tpu.memory_space<vmem>>, vector<16xf32>,
      %swap3A_623 = arith.index_cast %scan3A_76 : i32 to index
      %swap3A_624 = arith.constant 816 : index
      %swap3A_625 = tpu.vector_load %arg9[%swap3A_623, %swap3A_624] {strides = array<i32>} : memref<24x1152xf32, #tpu.memory_space<vmem>>, vector<16xf32>,
      tpu.vector_store %arg9[%swap3A_623, %swap3A_624], %gather3A_589 {strides = array<i32>} : memref<24x1152xf32, #tpu.memory_space<vmem>>, vector<16xf32>,
      %swap3A_626 = arith.index_cast %scan3A_76 : i32 to index
      %swap3A_627 = arith.constant 832 : index
      %swap3A_628 = tpu.vector_load %arg9[%swap3A_626, %swap3A_627] {strides = array<i32>} : memref<24x1152xf32, #tpu.memory_space<vmem>>, vector<16xf32>,
      tpu.vector_store %arg9[%swap3A_626, %swap3A_627], %gather3A_592 {strides = array<i32>} : memref<24x1152xf32, #tpu.memory_space<vmem>>, vector<16xf32>,
      %swap3A_629 = arith.index_cast %scan3A_76 : i32 to index
      %swap3A_630 = arith.constant 848 : index
      %swap3A_631 = tpu.vector_load %arg9[%swap3A_629, %swap3A_630] {strides = array<i32>} : memref<24x1152xf32, #tpu.memory_space<vmem>>, vector<16xf32>,
      tpu.vector_store %arg9[%swap3A_629, %swap3A_630], %gather3A_595 {strides = array<i32>} : memref<24x1152xf32, #tpu.memory_space<vmem>>, vector<16xf32>,
      %swap3A_632 = arith.index_cast %scan3A_76 : i32 to index
      %swap3A_633 = arith.constant 864 : index
      %swap3A_634 = tpu.vector_load %arg9[%swap3A_632, %swap3A_633] {strides = array<i32>} : memref<24x1152xf32, #tpu.memory_space<vmem>>, vector<16xf32>,
      tpu.vector_store %arg9[%swap3A_632, %swap3A_633], %gather3A_598 {strides = array<i32>} : memref<24x1152xf32, #tpu.memory_space<vmem>>, vector<16xf32>,
      %swap3A_635 = arith.index_cast %scan3A_76 : i32 to index
      %swap3A_636 = arith.constant 880 : index
      %swap3A_637 = tpu.vector_load %arg9[%swap3A_635, %swap3A_636] {strides = array<i32>} : memref<24x1152xf32, #tpu.memory_space<vmem>>, vector<16xf32>,
      tpu.vector_store %arg9[%swap3A_635, %swap3A_636], %gather3A_601 {strides = array<i32>} : memref<24x1152xf32, #tpu.memory_space<vmem>>, vector<16xf32>,
      %swap3A_638 = arith.index_cast %scan3A_76 : i32 to index
      %swap3A_639 = arith.constant 896 : index
      %swap3A_640 = tpu.vector_load %arg9[%swap3A_638, %swap3A_639] {strides = array<i32>} : memref<24x1152xf32, #tpu.memory_space<vmem>>, vector<16xf32>,
      tpu.vector_store %arg9[%swap3A_638, %swap3A_639], %gather3A_604 {strides = array<i32>} : memref<24x1152xf32, #tpu.memory_space<vmem>>, vector<16xf32>,
      %swap3A_641 = arith.index_cast %scan3A_76 : i32 to index
      %swap3A_642 = arith.constant 912 : index
      %swap3A_643 = tpu.vector_load %arg9[%swap3A_641, %swap3A_642] {strides = array<i32>} : memref<24x1152xf32, #tpu.memory_space<vmem>>, vector<16xf32>,
      tpu.vector_store %arg9[%swap3A_641, %swap3A_642], %gather3A_607 {strides = array<i32>} : memref<24x1152xf32, #tpu.memory_space<vmem>>, vector<16xf32>,
      %swap3A_644 = arith.index_cast %scan3A_76 : i32 to index
      %swap3A_645 = arith.constant 928 : index
      %swap3A_646 = tpu.vector_load %arg9[%swap3A_644, %swap3A_645] {strides = array<i32>} : memref<24x1152xf32, #tpu.memory_space<vmem>>, vector<16xf32>,
      tpu.vector_store %arg9[%swap3A_644, %swap3A_645], %gather3A_610 {strides = array<i32>} : memref<24x1152xf32, #tpu.memory_space<vmem>>, vector<16xf32>,
      %swap3A_647 = arith.index_cast %scan3A_76 : i32 to index
      %swap3A_648 = arith.constant 944 : index
      %swap3A_649 = tpu.vector_load %arg9[%swap3A_647, %swap3A_648] {strides = array<i32>} : memref<24x1152xf32, #tpu.memory_space<vmem>>, vector<16xf32>,
      tpu.vector_store %arg9[%swap3A_647, %swap3A_648], %gather3A_613 {strides = array<i32>} : memref<24x1152xf32, #tpu.memory_space<vmem>>, vector<16xf32>,
      %get3A_650 = arith.index_cast %add3A_253 : i32 to index
      %get3A_651 = tpu.vector_load %arg7[%get3A_650] {strides = array<i32>} : memref<13824xi32, #tpu.memory_space<vmem>>, vector<16xi32>,
      %gather3A_652 = tpu.vector_load_idx %arg6[%get3A_651] : memref<2304xf32, #tpu.memory_space<vmem>>[vector<16xi32>], vector<16xf32>,
      %get3A_653 = arith.index_cast %add3A_257 : i32 to index
      %get3A_654 = tpu.vector_load %arg7[%get3A_653] {strides = array<i32>} : memref<13824xi32, #tpu.memory_space<vmem>>, vector<16xi32>,
      %gather3A_655 = tpu.vector_load_idx %arg6[%get3A_654] : memref<2304xf32, #tpu.memory_space<vmem>>[vector<16xi32>], vector<16xf32>,
      %get3A_656 = arith.index_cast %add3A_261 : i32 to index
      %get3A_657 = tpu.vector_load %arg7[%get3A_656] {strides = array<i32>} : memref<13824xi32, #tpu.memory_space<vmem>>, vector<16xi32>,
      %gather3A_658 = tpu.vector_load_idx %arg6[%get3A_657] : memref<2304xf32, #tpu.memory_space<vmem>>[vector<16xi32>], vector<16xf32>,
      %get3A_659 = arith.index_cast %add3A_265 : i32 to index
      %get3A_660 = tpu.vector_load %arg7[%get3A_659] {strides = array<i32>} : memref<13824xi32, #tpu.memory_space<vmem>>, vector<16xi32>,
      %gather3A_661 = tpu.vector_load_idx %arg6[%get3A_660] : memref<2304xf32, #tpu.memory_space<vmem>>[vector<16xi32>], vector<16xf32>,
      %get3A_662 = arith.index_cast %add3A_269 : i32 to index
      %get3A_663 = tpu.vector_load %arg7[%get3A_662] {strides = array<i32>} : memref<13824xi32, #tpu.memory_space<vmem>>, vector<16xi32>,
      %gather3A_664 = tpu.vector_load_idx %arg6[%get3A_663] : memref<2304xf32, #tpu.memory_space<vmem>>[vector<16xi32>], vector<16xf32>,
      %get3A_665 = arith.index_cast %add3A_273 : i32 to index
      %get3A_666 = tpu.vector_load %arg7[%get3A_665] {strides = array<i32>} : memref<13824xi32, #tpu.memory_space<vmem>>, vector<16xi32>,
      %gather3A_667 = tpu.vector_load_idx %arg6[%get3A_666] : memref<2304xf32, #tpu.memory_space<vmem>>[vector<16xi32>], vector<16xf32>,
      %get3A_668 = arith.index_cast %add3A_277 : i32 to index
      %get3A_669 = tpu.vector_load %arg7[%get3A_668] {strides = array<i32>} : memref<13824xi32, #tpu.memory_space<vmem>>, vector<16xi32>,
      %gather3A_670 = tpu.vector_load_idx %arg6[%get3A_669] : memref<2304xf32, #tpu.memory_space<vmem>>[vector<16xi32>], vector<16xf32>,
      %get3A_671 = arith.index_cast %add3A_281 : i32 to index
      %get3A_672 = tpu.vector_load %arg7[%get3A_671] {strides = array<i32>} : memref<13824xi32, #tpu.memory_space<vmem>>, vector<16xi32>,
      %gather3A_673 = tpu.vector_load_idx %arg6[%get3A_672] : memref<2304xf32, #tpu.memory_space<vmem>>[vector<16xi32>], vector<16xf32>,
      %get3A_674 = arith.index_cast %add3A_285 : i32 to index
      %get3A_675 = tpu.vector_load %arg7[%get3A_674] {strides = array<i32>} : memref<13824xi32, #tpu.memory_space<vmem>>, vector<16xi32>,
      %gather3A_676 = tpu.vector_load_idx %arg6[%get3A_675] : memref<2304xf32, #tpu.memory_space<vmem>>[vector<16xi32>], vector<16xf32>,
      %get3A_677 = arith.index_cast %add3A_289 : i32 to index
      %get3A_678 = tpu.vector_load %arg7[%get3A_677] {strides = array<i32>} : memref<13824xi32, #tpu.memory_space<vmem>>, vector<16xi32>,
      %gather3A_679 = tpu.vector_load_idx %arg6[%get3A_678] : memref<2304xf32, #tpu.memory_space<vmem>>[vector<16xi32>], vector<16xf32>,
      %get3A_680 = arith.index_cast %sub3A_292 : i32 to index
      %get3A_681 = tpu.vector_load %arg7[%get3A_680] {strides = array<i32>} : memref<13824xi32, #tpu.memory_space<vmem>>, vector<16xi32>,
      %gather3A_682 = tpu.vector_load_idx %arg6[%get3A_681] : memref<2304xf32, #tpu.memory_space<vmem>>[vector<16xi32>], vector<16xf32>,
      %swap3A_683 = arith.index_cast %scan3A_76 : i32 to index
      %swap3A_684 = arith.constant 960 : index
      %swap3A_685 = tpu.vector_load %arg9[%swap3A_683, %swap3A_684] {strides = array<i32>} : memref<24x1152xf32, #tpu.memory_space<vmem>>, vector<16xf32>,
      tpu.vector_store %arg9[%swap3A_683, %swap3A_684], %gather3A_652 {strides = array<i32>} : memref<24x1152xf32, #tpu.memory_space<vmem>>, vector<16xf32>,
      %swap3A_686 = arith.index_cast %scan3A_76 : i32 to index
      %swap3A_687 = arith.constant 976 : index
      %swap3A_688 = tpu.vector_load %arg9[%swap3A_686, %swap3A_687] {strides = array<i32>} : memref<24x1152xf32, #tpu.memory_space<vmem>>, vector<16xf32>,
      tpu.vector_store %arg9[%swap3A_686, %swap3A_687], %gather3A_655 {strides = array<i32>} : memref<24x1152xf32, #tpu.memory_space<vmem>>, vector<16xf32>,
      %swap3A_689 = arith.index_cast %scan3A_76 : i32 to index
      %swap3A_690 = arith.constant 992 : index
      %swap3A_691 = tpu.vector_load %arg9[%swap3A_689, %swap3A_690] {strides = array<i32>} : memref<24x1152xf32, #tpu.memory_space<vmem>>, vector<16xf32>,
      tpu.vector_store %arg9[%swap3A_689, %swap3A_690], %gather3A_658 {strides = array<i32>} : memref<24x1152xf32, #tpu.memory_space<vmem>>, vector<16xf32>,
      %swap3A_692 = arith.index_cast %scan3A_76 : i32 to index
      %swap3A_693 = arith.constant 1008 : index
      %swap3A_694 = tpu.vector_load %arg9[%swap3A_692, %swap3A_693] {strides = array<i32>} : memref<24x1152xf32, #tpu.memory_space<vmem>>, vector<16xf32>,
      tpu.vector_store %arg9[%swap3A_692, %swap3A_693], %gather3A_661 {strides = array<i32>} : memref<24x1152xf32, #tpu.memory_space<vmem>>, vector<16xf32>,
      %swap3A_695 = arith.index_cast %scan3A_76 : i32 to index
      %swap3A_696 = arith.constant 1024 : index
      %swap3A_697 = tpu.vector_load %arg9[%swap3A_695, %swap3A_696] {strides = array<i32>} : memref<24x1152xf32, #tpu.memory_space<vmem>>, vector<16xf32>,
      tpu.vector_store %arg9[%swap3A_695, %swap3A_696], %gather3A_664 {strides = array<i32>} : memref<24x1152xf32, #tpu.memory_space<vmem>>, vector<16xf32>,
      %swap3A_698 = arith.index_cast %scan3A_76 : i32 to index
      %swap3A_699 = arith.constant 1040 : index
      %swap3A_700 = tpu.vector_load %arg9[%swap3A_698, %swap3A_699] {strides = array<i32>} : memref<24x1152xf32, #tpu.memory_space<vmem>>, vector<16xf32>,
      tpu.vector_store %arg9[%swap3A_698, %swap3A_699], %gather3A_667 {strides = array<i32>} : memref<24x1152xf32, #tpu.memory_space<vmem>>, vector<16xf32>,
      %swap3A_701 = arith.index_cast %scan3A_76 : i32 to index
      %swap3A_702 = arith.constant 1056 : index
      %swap3A_703 = tpu.vector_load %arg9[%swap3A_701, %swap3A_702] {strides = array<i32>} : memref<24x1152xf32, #tpu.memory_space<vmem>>, vector<16xf32>,
      tpu.vector_store %arg9[%swap3A_701, %swap3A_702], %gather3A_670 {strides = array<i32>} : memref<24x1152xf32, #tpu.memory_space<vmem>>, vector<16xf32>,
      %swap3A_704 = arith.index_cast %scan3A_76 : i32 to index
      %swap3A_705 = arith.constant 1072 : index
      %swap3A_706 = tpu.vector_load %arg9[%swap3A_704, %swap3A_705] {strides = array<i32>} : memref<24x1152xf32, #tpu.memory_space<vmem>>, vector<16xf32>,
      tpu.vector_store %arg9[%swap3A_704, %swap3A_705], %gather3A_673 {strides = array<i32>} : memref<24x1152xf32, #tpu.memory_space<vmem>>, vector<16xf32>,
      %swap3A_707 = arith.index_cast %scan3A_76 : i32 to index
      %swap3A_708 = arith.constant 1088 : index
      %swap3A_709 = tpu.vector_load %arg9[%swap3A_707, %swap3A_708] {strides = array<i32>} : memref<24x1152xf32, #tpu.memory_space<vmem>>, vector<16xf32>,
      tpu.vector_store %arg9[%swap3A_707, %swap3A_708], %gather3A_676 {strides = array<i32>} : memref<24x1152xf32, #tpu.memory_space<vmem>>, vector<16xf32>,
      %swap3A_710 = arith.index_cast %scan3A_76 : i32 to index
      %swap3A_711 = arith.constant 1104 : index
      %swap3A_712 = tpu.vector_load %arg9[%swap3A_710, %swap3A_711] {strides = array<i32>} : memref<24x1152xf32, #tpu.memory_space<vmem>>, vector<16xf32>,
      tpu.vector_store %arg9[%swap3A_710, %swap3A_711], %gather3A_679 {strides = array<i32>} : memref<24x1152xf32, #tpu.memory_space<vmem>>, vector<16xf32>,
      %swap3A_713 = arith.index_cast %scan3A_76 : i32 to index
      %swap3A_714 = arith.constant 1112 : index
      %swap3A_715 = tpu.vector_load %arg9[%swap3A_713, %swap3A_714] {strides = array<i32>} : memref<24x1152xf32, #tpu.memory_space<vmem>>, vector<16xf32>,
      tpu.vector_store %arg9[%swap3A_713, %swap3A_714], %gather3A_682 {strides = array<i32>} : memref<24x1152xf32, #tpu.memory_space<vmem>>, vector<16xf32>,
      %scan3A_716 = arith.constant 0 : i32
      scf.yield %scan3A_716 : i32
    }
    %scan3A_33 = arith.constant 8 : i32
    %dma_start3A_34 = arith.constant 16 : i32
    %dma_start3A_35 = arith.constant 0 : i32
    %dma_start3A_36 = tpu.memref_slice %arg9[%dma_start3A_34, %dma_start3A_35] : memref<24x1152xf32, #tpu.memory_space<vmem>> -> memref<8x1152xf32, #tpu.memory_space<vmem>>
    %dma_start3A_37 = arith.constant 16 : i32
    %dma_start3A_38 = arith.constant 0 : i32
    %dma_start3A_39 = tpu.memref_slice %arg5[%add3A, %dma_start3A_37, %dma_start3A_38] : memref<32x24x1152xf32, #tpu.memory_space<hbm>> -> memref<1x8x1152xf32, #tpu.memory_space<hbm>>
    %dma_start3A_40 = tpu.memref_squeeze %dma_start3A_39 : memref<1x8x1152xf32, #tpu.memory_space<hbm>> -> memref<8x1152xf32, #tpu.memory_space<hbm>>
    %dma_start3A_41 = arith.constant 16 : i32
    %dma_start3A_42 = arith.constant 0 : i32
    %dma_start3A_43 = tpu.memref_slice %arg5[%add3A, %dma_start3A_41, %dma_start3A_42] : memref<32x24x1152xf32, #tpu.memory_space<hbm>> -> memref<1x8x1152xf32, #tpu.memory_space<hbm>>
    %dma_start3A_44 = tpu.memref_squeeze %dma_start3A_43 : memref<1x8x1152xf32, #tpu.memory_space<hbm>> -> memref<8x1152xf32, #tpu.memory_space<hbm>>
    %dma_start3A_45 = arith.constant 16 : i32
    %dma_start3A_46 = arith.constant 0 : i32
    %dma_start3A_47 = tpu.memref_slice %arg9[%dma_start3A_45, %dma_start3A_46] : memref<24x1152xf32, #tpu.memory_space<vmem>> -> memref<8x1152xf32, #tpu.memory_space<vmem>>
    tpu.enqueue_dma source(%dma_start3A_47 : memref<8x1152xf32, #tpu.memory_space<vmem>>) target(%dma_start3A_44 : memref<8x1152xf32, #tpu.memory_space<hbm>>) target_semaphore(%arg10 : memref<!tpu.dma_semaphore, #tpu.memory_space<semaphore_mem>>)
    %dma_wait3A_48 = arith.constant 0 : i32
    %dma_wait3A_49 = arith.constant 0 : i32
    %dma_wait3A_50 = tpu.memref_slice %arg9[%dma_wait3A_48, %dma_wait3A_49] : memref<24x1152xf32, #tpu.memory_space<vmem>> -> memref<16x1152xf32, #tpu.memory_space<vmem>>
    %dma_wait3A_51 = arith.constant 0 : i32
    %dma_wait3A_52 = arith.constant 0 : i32
    %dma_wait3A_53 = tpu.memref_slice %arg5[%add3A, %dma_wait3A_51, %dma_wait3A_52] : memref<32x24x1152xf32, #tpu.memory_space<hbm>> -> memref<1x16x1152xf32, #tpu.memory_space<hbm>>
    %dma_wait3A_54 = tpu.memref_squeeze %dma_wait3A_53 : memref<1x16x1152xf32, #tpu.memory_space<hbm>> -> memref<16x1152xf32, #tpu.memory_space<hbm>>
    %dma_wait3A_55 = arith.constant 0 : i32
    %dma_wait3A_56 = arith.constant 0 : i32
    %dma_wait3A_57 = tpu.memref_slice %arg5[%add3A, %dma_wait3A_55, %dma_wait3A_56] : memref<32x24x1152xf32, #tpu.memory_space<hbm>> -> memref<1x16x1152xf32, #tpu.memory_space<hbm>>
    %dma_wait3A_58 = tpu.memref_squeeze %dma_wait3A_57 : memref<1x16x1152xf32, #tpu.memory_space<hbm>> -> memref<16x1152xf32, #tpu.memory_space<hbm>>
    %dma_wait3A_59 = arith.constant 0 : i32
    %dma_wait3A_60 = arith.constant 0 : i32
    %dma_wait3A_61 = tpu.memref_slice %arg9[%dma_wait3A_59, %dma_wait3A_60] : memref<24x1152xf32, #tpu.memory_space<vmem>> -> memref<16x1152xf32, #tpu.memory_space<vmem>>
    tpu.wait_dma2 semaphore(%arg10 : memref<!tpu.dma_semaphore, #tpu.memory_space<semaphore_mem>>) src(%dma_wait3A_61 : memref<16x1152xf32, #tpu.memory_space<vmem>>) dst(%dma_wait3A_58 : memref<16x1152xf32, #tpu.memory_space<hbm>>)
    %dma_wait3A_62 = arith.constant 16 : i32
    %dma_wait3A_63 = arith.constant 0 : i32
    %dma_wait3A_64 = tpu.memref_slice %arg9[%dma_wait3A_62, %dma_wait3A_63] : memref<24x1152xf32, #tpu.memory_space<vmem>> -> memref<8x1152xf32, #tpu.memory_space<vmem>>
    %dma_wait3A_65 = arith.constant 16 : i32
    %dma_wait3A_66 = arith.constant 0 : i32
    %dma_wait3A_67 = tpu.memref_slice %arg5[%add3A, %dma_wait3A_65, %dma_wait3A_66] : memref<32x24x1152xf32, #tpu.memory_space<hbm>> -> memref<1x8x1152xf32, #tpu.memory_space<hbm>>
    %dma_wait3A_68 = tpu.memref_squeeze %dma_wait3A_67 : memref<1x8x1152xf32, #tpu.memory_space<hbm>> -> memref<8x1152xf32, #tpu.memory_space<hbm>>
    %dma_wait3A_69 = arith.constant 16 : i32
    %dma_wait3A_70 = arith.constant 0 : i32
    %dma_wait3A_71 = tpu.memref_slice %arg5[%add3A, %dma_wait3A_69, %dma_wait3A_70] : memref<32x24x1152xf32, #tpu.memory_space<hbm>> -> memref<1x8x1152xf32, #tpu.memory_space<hbm>>
    %dma_wait3A_72 = tpu.memref_squeeze %dma_wait3A_71 : memref<1x8x1152xf32, #tpu.memory_space<hbm>> -> memref<8x1152xf32, #tpu.memory_space<hbm>>
    %dma_wait3A_73 = arith.constant 16 : i32
    %dma_wait3A_74 = arith.constant 0 : i32
    %dma_wait3A_75 = tpu.memref_slice %arg9[%dma_wait3A_73, %dma_wait3A_74] : memref<24x1152xf32, #tpu.memory_space<vmem>> -> memref<8x1152xf32, #tpu.memory_space<vmem>>
    tpu.wait_dma2 semaphore(%arg10 : memref<!tpu.dma_semaphore, #tpu.memory_space<semaphore_mem>>) src(%dma_wait3A_75 : memref<8x1152xf32, #tpu.memory_space<vmem>>) dst(%dma_wait3A_72 : memref<8x1152xf32, #tpu.memory_space<hbm>>)
    return
  }
}

module attributes {stable_mosaic.version = 14 : i64} {
  func.func @_tc_body(%arg0: i32, %arg1: memref<4x24x1152xf32, #tpu.memory_space<vmem>>, %arg2: memref<4x576x576xf32, #tpu.memory_space<vmem>>) attributes {dimension_semantics = [#tpu.dimension_semantics<parallel>], iteration_bounds = array<i64: 8>, scalar_prefetch = 0 : i64, scratch_operands = 0 : i64, tpu.core_type = #tpu.core_type<tc>, window_params = [{transform_indices = @transform_0, window_bounds = array<i64: 4, 24, 1152>}, {transform_indices = @transform_1, window_bounds = array<i64: 4, 576, 576>}]} {
    %get3A = arith.constant 0 : index
    %get3A_0 = arith.constant 0 : index
    %get3A_1 = arith.constant 552 : index
    %get3A_2 = vector.load %arg1[%get3A, %get3A_0, %get3A_1] : memref<4x24x1152xf32, #tpu.memory_space<vmem>>, vector<4x24x576xf32>
    %swap3A = arith.constant 0 : index
    %swap3A_3 = arith.constant 0 : index
    %swap3A_4 = arith.constant 0 : index
    %swap3A_5 = vector.load %arg2[%swap3A, %swap3A_3, %swap3A_4] : memref<4x576x576xf32, #tpu.memory_space<vmem>>, vector<4x24x576xf32>
    tpu.vector_store %arg2[%swap3A, %swap3A_3, %swap3A_4], %get3A_2 {strides = array<i32>} : memref<4x576x576xf32, #tpu.memory_space<vmem>>, vector<4x24x576xf32>,
    %get3A_6 = arith.constant 0 : index
    %get3A_7 = arith.constant 0 : index
    %get3A_8 = arith.constant 528 : index
    %get3A_9 = vector.load %arg1[%get3A_6, %get3A_7, %get3A_8] : memref<4x24x1152xf32, #tpu.memory_space<vmem>>, vector<4x24x576xf32>
    %swap3A_10 = arith.constant 0 : index
    %swap3A_11 = arith.constant 24 : index
    %swap3A_12 = arith.constant 0 : index
    %swap3A_13 = vector.load %arg2[%swap3A_10, %swap3A_11, %swap3A_12] : memref<4x576x576xf32, #tpu.memory_space<vmem>>, vector<4x24x576xf32>
    tpu.vector_store %arg2[%swap3A_10, %swap3A_11, %swap3A_12], %get3A_9 {strides = array<i32>} : memref<4x576x576xf32, #tpu.memory_space<vmem>>, vector<4x24x576xf32>,
    %get3A_14 = arith.constant 0 : index
    %get3A_15 = arith.constant 0 : index
    %get3A_16 = arith.constant 504 : index
    %get3A_17 = vector.load %arg1[%get3A_14, %get3A_15, %get3A_16] : memref<4x24x1152xf32, #tpu.memory_space<vmem>>, vector<4x24x576xf32>
    %swap3A_18 = arith.constant 0 : index
    %swap3A_19 = arith.constant 48 : index
    %swap3A_20 = arith.constant 0 : index
    %swap3A_21 = vector.load %arg2[%swap3A_18, %swap3A_19, %swap3A_20] : memref<4x576x576xf32, #tpu.memory_space<vmem>>, vector<4x24x576xf32>
    tpu.vector_store %arg2[%swap3A_18, %swap3A_19, %swap3A_20], %get3A_17 {strides = array<i32>} : memref<4x576x576xf32, #tpu.memory_space<vmem>>, vector<4x24x576xf32>,
    %get3A_22 = arith.constant 0 : index
    %get3A_23 = arith.constant 0 : index
    %get3A_24 = arith.constant 480 : index
    %get3A_25 = vector.load %arg1[%get3A_22, %get3A_23, %get3A_24] : memref<4x24x1152xf32, #tpu.memory_space<vmem>>, vector<4x24x576xf32>
    %swap3A_26 = arith.constant 0 : index
    %swap3A_27 = arith.constant 72 : index
    %swap3A_28 = arith.constant 0 : index
    %swap3A_29 = vector.load %arg2[%swap3A_26, %swap3A_27, %swap3A_28] : memref<4x576x576xf32, #tpu.memory_space<vmem>>, vector<4x24x576xf32>
    tpu.vector_store %arg2[%swap3A_26, %swap3A_27, %swap3A_28], %get3A_25 {strides = array<i32>} : memref<4x576x576xf32, #tpu.memory_space<vmem>>, vector<4x24x576xf32>,
    %get3A_30 = arith.constant 0 : index
    %get3A_31 = arith.constant 0 : index
    %get3A_32 = arith.constant 456 : index
    %get3A_33 = vector.load %arg1[%get3A_30, %get3A_31, %get3A_32] : memref<4x24x1152xf32, #tpu.memory_space<vmem>>, vector<4x24x576xf32>
    %swap3A_34 = arith.constant 0 : index
    %swap3A_35 = arith.constant 96 : index
    %swap3A_36 = arith.constant 0 : index
    %swap3A_37 = vector.load %arg2[%swap3A_34, %swap3A_35, %swap3A_36] : memref<4x576x576xf32, #tpu.memory_space<vmem>>, vector<4x24x576xf32>
    tpu.vector_store %arg2[%swap3A_34, %swap3A_35, %swap3A_36], %get3A_33 {strides = array<i32>} : memref<4x576x576xf32, #tpu.memory_space<vmem>>, vector<4x24x576xf32>,
    %get3A_38 = arith.constant 0 : index
    %get3A_39 = arith.constant 0 : index
    %get3A_40 = arith.constant 432 : index
    %get3A_41 = vector.load %arg1[%get3A_38, %get3A_39, %get3A_40] : memref<4x24x1152xf32, #tpu.memory_space<vmem>>, vector<4x24x576xf32>
    %swap3A_42 = arith.constant 0 : index
    %swap3A_43 = arith.constant 120 : index
    %swap3A_44 = arith.constant 0 : index
    %swap3A_45 = vector.load %arg2[%swap3A_42, %swap3A_43, %swap3A_44] : memref<4x576x576xf32, #tpu.memory_space<vmem>>, vector<4x24x576xf32>
    tpu.vector_store %arg2[%swap3A_42, %swap3A_43, %swap3A_44], %get3A_41 {strides = array<i32>} : memref<4x576x576xf32, #tpu.memory_space<vmem>>, vector<4x24x576xf32>,
    %get3A_46 = arith.constant 0 : index
    %get3A_47 = arith.constant 0 : index
    %get3A_48 = arith.constant 408 : index
    %get3A_49 = vector.load %arg1[%get3A_46, %get3A_47, %get3A_48] : memref<4x24x1152xf32, #tpu.memory_space<vmem>>, vector<4x24x576xf32>
    %swap3A_50 = arith.constant 0 : index
    %swap3A_51 = arith.constant 144 : index
    %swap3A_52 = arith.constant 0 : index
    %swap3A_53 = vector.load %arg2[%swap3A_50, %swap3A_51, %swap3A_52] : memref<4x576x576xf32, #tpu.memory_space<vmem>>, vector<4x24x576xf32>
    tpu.vector_store %arg2[%swap3A_50, %swap3A_51, %swap3A_52], %get3A_49 {strides = array<i32>} : memref<4x576x576xf32, #tpu.memory_space<vmem>>, vector<4x24x576xf32>,
    %get3A_54 = arith.constant 0 : index
    %get3A_55 = arith.constant 0 : index
    %get3A_56 = arith.constant 384 : index
    %get3A_57 = vector.load %arg1[%get3A_54, %get3A_55, %get3A_56] : memref<4x24x1152xf32, #tpu.memory_space<vmem>>, vector<4x24x576xf32>
    %swap3A_58 = arith.constant 0 : index
    %swap3A_59 = arith.constant 168 : index
    %swap3A_60 = arith.constant 0 : index
    %swap3A_61 = vector.load %arg2[%swap3A_58, %swap3A_59, %swap3A_60] : memref<4x576x576xf32, #tpu.memory_space<vmem>>, vector<4x24x576xf32>
    tpu.vector_store %arg2[%swap3A_58, %swap3A_59, %swap3A_60], %get3A_57 {strides = array<i32>} : memref<4x576x576xf32, #tpu.memory_space<vmem>>, vector<4x24x576xf32>,
    %get3A_62 = arith.constant 0 : index
    %get3A_63 = arith.constant 0 : index
    %get3A_64 = arith.constant 360 : index
    %get3A_65 = vector.load %arg1[%get3A_62, %get3A_63, %get3A_64] : memref<4x24x1152xf32, #tpu.memory_space<vmem>>, vector<4x24x576xf32>
    %swap3A_66 = arith.constant 0 : index
    %swap3A_67 = arith.constant 192 : index
    %swap3A_68 = arith.constant 0 : index
    %swap3A_69 = vector.load %arg2[%swap3A_66, %swap3A_67, %swap3A_68] : memref<4x576x576xf32, #tpu.memory_space<vmem>>, vector<4x24x576xf32>
    tpu.vector_store %arg2[%swap3A_66, %swap3A_67, %swap3A_68], %get3A_65 {strides = array<i32>} : memref<4x576x576xf32, #tpu.memory_space<vmem>>, vector<4x24x576xf32>,
    %get3A_70 = arith.constant 0 : index
    %get3A_71 = arith.constant 0 : index
    %get3A_72 = arith.constant 336 : index
    %get3A_73 = vector.load %arg1[%get3A_70, %get3A_71, %get3A_72] : memref<4x24x1152xf32, #tpu.memory_space<vmem>>, vector<4x24x576xf32>
    %swap3A_74 = arith.constant 0 : index
    %swap3A_75 = arith.constant 216 : index
    %swap3A_76 = arith.constant 0 : index
    %swap3A_77 = vector.load %arg2[%swap3A_74, %swap3A_75, %swap3A_76] : memref<4x576x576xf32, #tpu.memory_space<vmem>>, vector<4x24x576xf32>
    tpu.vector_store %arg2[%swap3A_74, %swap3A_75, %swap3A_76], %get3A_73 {strides = array<i32>} : memref<4x576x576xf32, #tpu.memory_space<vmem>>, vector<4x24x576xf32>,
    %get3A_78 = arith.constant 0 : index
    %get3A_79 = arith.constant 0 : index
    %get3A_80 = arith.constant 312 : index
    %get3A_81 = vector.load %arg1[%get3A_78, %get3A_79, %get3A_80] : memref<4x24x1152xf32, #tpu.memory_space<vmem>>, vector<4x24x576xf32>
    %swap3A_82 = arith.constant 0 : index
    %swap3A_83 = arith.constant 240 : index
    %swap3A_84 = arith.constant 0 : index
    %swap3A_85 = vector.load %arg2[%swap3A_82, %swap3A_83, %swap3A_84] : memref<4x576x576xf32, #tpu.memory_space<vmem>>, vector<4x24x576xf32>
    tpu.vector_store %arg2[%swap3A_82, %swap3A_83, %swap3A_84], %get3A_81 {strides = array<i32>} : memref<4x576x576xf32, #tpu.memory_space<vmem>>, vector<4x24x576xf32>,
    %get3A_86 = arith.constant 0 : index
    %get3A_87 = arith.constant 0 : index
    %get3A_88 = arith.constant 288 : index
    %get3A_89 = vector.load %arg1[%get3A_86, %get3A_87, %get3A_88] : memref<4x24x1152xf32, #tpu.memory_space<vmem>>, vector<4x24x576xf32>
    %swap3A_90 = arith.constant 0 : index
    %swap3A_91 = arith.constant 264 : index
    %swap3A_92 = arith.constant 0 : index
    %swap3A_93 = vector.load %arg2[%swap3A_90, %swap3A_91, %swap3A_92] : memref<4x576x576xf32, #tpu.memory_space<vmem>>, vector<4x24x576xf32>
    tpu.vector_store %arg2[%swap3A_90, %swap3A_91, %swap3A_92], %get3A_89 {strides = array<i32>} : memref<4x576x576xf32, #tpu.memory_space<vmem>>, vector<4x24x576xf32>,
    %get3A_94 = arith.constant 0 : index
    %get3A_95 = arith.constant 0 : index
    %get3A_96 = arith.constant 264 : index
    %get3A_97 = vector.load %arg1[%get3A_94, %get3A_95, %get3A_96] : memref<4x24x1152xf32, #tpu.memory_space<vmem>>, vector<4x24x576xf32>
    %swap3A_98 = arith.constant 0 : index
    %swap3A_99 = arith.constant 288 : index
    %swap3A_100 = arith.constant 0 : index
    %swap3A_101 = vector.load %arg2[%swap3A_98, %swap3A_99, %swap3A_100] : memref<4x576x576xf32, #tpu.memory_space<vmem>>, vector<4x24x576xf32>
    tpu.vector_store %arg2[%swap3A_98, %swap3A_99, %swap3A_100], %get3A_97 {strides = array<i32>} : memref<4x576x576xf32, #tpu.memory_space<vmem>>, vector<4x24x576xf32>,
    %get3A_102 = arith.constant 0 : index
    %get3A_103 = arith.constant 0 : index
    %get3A_104 = arith.constant 240 : index
    %get3A_105 = vector.load %arg1[%get3A_102, %get3A_103, %get3A_104] : memref<4x24x1152xf32, #tpu.memory_space<vmem>>, vector<4x24x576xf32>
    %swap3A_106 = arith.constant 0 : index
    %swap3A_107 = arith.constant 312 : index
    %swap3A_108 = arith.constant 0 : index
    %swap3A_109 = vector.load %arg2[%swap3A_106, %swap3A_107, %swap3A_108] : memref<4x576x576xf32, #tpu.memory_space<vmem>>, vector<4x24x576xf32>
    tpu.vector_store %arg2[%swap3A_106, %swap3A_107, %swap3A_108], %get3A_105 {strides = array<i32>} : memref<4x576x576xf32, #tpu.memory_space<vmem>>, vector<4x24x576xf32>,
    %get3A_110 = arith.constant 0 : index
    %get3A_111 = arith.constant 0 : index
    %get3A_112 = arith.constant 216 : index
    %get3A_113 = vector.load %arg1[%get3A_110, %get3A_111, %get3A_112] : memref<4x24x1152xf32, #tpu.memory_space<vmem>>, vector<4x24x576xf32>
    %swap3A_114 = arith.constant 0 : index
    %swap3A_115 = arith.constant 336 : index
    %swap3A_116 = arith.constant 0 : index
    %swap3A_117 = vector.load %arg2[%swap3A_114, %swap3A_115, %swap3A_116] : memref<4x576x576xf32, #tpu.memory_space<vmem>>, vector<4x24x576xf32>
    tpu.vector_store %arg2[%swap3A_114, %swap3A_115, %swap3A_116], %get3A_113 {strides = array<i32>} : memref<4x576x576xf32, #tpu.memory_space<vmem>>, vector<4x24x576xf32>,
    %get3A_118 = arith.constant 0 : index
    %get3A_119 = arith.constant 0 : index
    %get3A_120 = arith.constant 192 : index
    %get3A_121 = vector.load %arg1[%get3A_118, %get3A_119, %get3A_120] : memref<4x24x1152xf32, #tpu.memory_space<vmem>>, vector<4x24x576xf32>
    %swap3A_122 = arith.constant 0 : index
    %swap3A_123 = arith.constant 360 : index
    %swap3A_124 = arith.constant 0 : index
    %swap3A_125 = vector.load %arg2[%swap3A_122, %swap3A_123, %swap3A_124] : memref<4x576x576xf32, #tpu.memory_space<vmem>>, vector<4x24x576xf32>
    tpu.vector_store %arg2[%swap3A_122, %swap3A_123, %swap3A_124], %get3A_121 {strides = array<i32>} : memref<4x576x576xf32, #tpu.memory_space<vmem>>, vector<4x24x576xf32>,
    %get3A_126 = arith.constant 0 : index
    %get3A_127 = arith.constant 0 : index
    %get3A_128 = arith.constant 168 : index
    %get3A_129 = vector.load %arg1[%get3A_126, %get3A_127, %get3A_128] : memref<4x24x1152xf32, #tpu.memory_space<vmem>>, vector<4x24x576xf32>
    %swap3A_130 = arith.constant 0 : index
    %swap3A_131 = arith.constant 384 : index
    %swap3A_132 = arith.constant 0 : index
    %swap3A_133 = vector.load %arg2[%swap3A_130, %swap3A_131, %swap3A_132] : memref<4x576x576xf32, #tpu.memory_space<vmem>>, vector<4x24x576xf32>
    tpu.vector_store %arg2[%swap3A_130, %swap3A_131, %swap3A_132], %get3A_129 {strides = array<i32>} : memref<4x576x576xf32, #tpu.memory_space<vmem>>, vector<4x24x576xf32>,
    %get3A_134 = arith.constant 0 : index
    %get3A_135 = arith.constant 0 : index
    %get3A_136 = arith.constant 144 : index
    %get3A_137 = vector.load %arg1[%get3A_134, %get3A_135, %get3A_136] : memref<4x24x1152xf32, #tpu.memory_space<vmem>>, vector<4x24x576xf32>
    %swap3A_138 = arith.constant 0 : index
    %swap3A_139 = arith.constant 408 : index
    %swap3A_140 = arith.constant 0 : index
    %swap3A_141 = vector.load %arg2[%swap3A_138, %swap3A_139, %swap3A_140] : memref<4x576x576xf32, #tpu.memory_space<vmem>>, vector<4x24x576xf32>
    tpu.vector_store %arg2[%swap3A_138, %swap3A_139, %swap3A_140], %get3A_137 {strides = array<i32>} : memref<4x576x576xf32, #tpu.memory_space<vmem>>, vector<4x24x576xf32>,
    %get3A_142 = arith.constant 0 : index
    %get3A_143 = arith.constant 0 : index
    %get3A_144 = arith.constant 120 : index
    %get3A_145 = vector.load %arg1[%get3A_142, %get3A_143, %get3A_144] : memref<4x24x1152xf32, #tpu.memory_space<vmem>>, vector<4x24x576xf32>
    %swap3A_146 = arith.constant 0 : index
    %swap3A_147 = arith.constant 432 : index
    %swap3A_148 = arith.constant 0 : index
    %swap3A_149 = vector.load %arg2[%swap3A_146, %swap3A_147, %swap3A_148] : memref<4x576x576xf32, #tpu.memory_space<vmem>>, vector<4x24x576xf32>
    tpu.vector_store %arg2[%swap3A_146, %swap3A_147, %swap3A_148], %get3A_145 {strides = array<i32>} : memref<4x576x576xf32, #tpu.memory_space<vmem>>, vector<4x24x576xf32>,
    %get3A_150 = arith.constant 0 : index
    %get3A_151 = arith.constant 0 : index
    %get3A_152 = arith.constant 96 : index
    %get3A_153 = vector.load %arg1[%get3A_150, %get3A_151, %get3A_152] : memref<4x24x1152xf32, #tpu.memory_space<vmem>>, vector<4x24x576xf32>
    %swap3A_154 = arith.constant 0 : index
    %swap3A_155 = arith.constant 456 : index
    %swap3A_156 = arith.constant 0 : index
    %swap3A_157 = vector.load %arg2[%swap3A_154, %swap3A_155, %swap3A_156] : memref<4x576x576xf32, #tpu.memory_space<vmem>>, vector<4x24x576xf32>
    tpu.vector_store %arg2[%swap3A_154, %swap3A_155, %swap3A_156], %get3A_153 {strides = array<i32>} : memref<4x576x576xf32, #tpu.memory_space<vmem>>, vector<4x24x576xf32>,
    %get3A_158 = arith.constant 0 : index
    %get3A_159 = arith.constant 0 : index
    %get3A_160 = arith.constant 72 : index
    %get3A_161 = vector.load %arg1[%get3A_158, %get3A_159, %get3A_160] : memref<4x24x1152xf32, #tpu.memory_space<vmem>>, vector<4x24x576xf32>
    %swap3A_162 = arith.constant 0 : index
    %swap3A_163 = arith.constant 480 : index
    %swap3A_164 = arith.constant 0 : index
    %swap3A_165 = vector.load %arg2[%swap3A_162, %swap3A_163, %swap3A_164] : memref<4x576x576xf32, #tpu.memory_space<vmem>>, vector<4x24x576xf32>
    tpu.vector_store %arg2[%swap3A_162, %swap3A_163, %swap3A_164], %get3A_161 {strides = array<i32>} : memref<4x576x576xf32, #tpu.memory_space<vmem>>, vector<4x24x576xf32>,
    %get3A_166 = arith.constant 0 : index
    %get3A_167 = arith.constant 0 : index
    %get3A_168 = arith.constant 48 : index
    %get3A_169 = vector.load %arg1[%get3A_166, %get3A_167, %get3A_168] : memref<4x24x1152xf32, #tpu.memory_space<vmem>>, vector<4x24x576xf32>
    %swap3A_170 = arith.constant 0 : index
    %swap3A_171 = arith.constant 504 : index
    %swap3A_172 = arith.constant 0 : index
    %swap3A_173 = vector.load %arg2[%swap3A_170, %swap3A_171, %swap3A_172] : memref<4x576x576xf32, #tpu.memory_space<vmem>>, vector<4x24x576xf32>
    tpu.vector_store %arg2[%swap3A_170, %swap3A_171, %swap3A_172], %get3A_169 {strides = array<i32>} : memref<4x576x576xf32, #tpu.memory_space<vmem>>, vector<4x24x576xf32>,
    %get3A_174 = arith.constant 0 : index
    %get3A_175 = arith.constant 0 : index
    %get3A_176 = arith.constant 24 : index
    %get3A_177 = vector.load %arg1[%get3A_174, %get3A_175, %get3A_176] : memref<4x24x1152xf32, #tpu.memory_space<vmem>>, vector<4x24x576xf32>
    %swap3A_178 = arith.constant 0 : index
    %swap3A_179 = arith.constant 528 : index
    %swap3A_180 = arith.constant 0 : index
    %swap3A_181 = vector.load %arg2[%swap3A_178, %swap3A_179, %swap3A_180] : memref<4x576x576xf32, #tpu.memory_space<vmem>>, vector<4x24x576xf32>
    tpu.vector_store %arg2[%swap3A_178, %swap3A_179, %swap3A_180], %get3A_177 {strides = array<i32>} : memref<4x576x576xf32, #tpu.memory_space<vmem>>, vector<4x24x576xf32>,
    %get3A_182 = arith.constant 0 : index
    %get3A_183 = arith.constant 0 : index
    %get3A_184 = arith.constant 0 : index
    %get3A_185 = vector.load %arg1[%get3A_182, %get3A_183, %get3A_184] : memref<4x24x1152xf32, #tpu.memory_space<vmem>>, vector<4x24x576xf32>
    %swap3A_186 = arith.constant 0 : index
    %swap3A_187 = arith.constant 552 : index
    %swap3A_188 = arith.constant 0 : index
    %swap3A_189 = vector.load %arg2[%swap3A_186, %swap3A_187, %swap3A_188] : memref<4x576x576xf32, #tpu.memory_space<vmem>>, vector<4x24x576xf32>
    tpu.vector_store %arg2[%swap3A_186, %swap3A_187, %swap3A_188], %get3A_185 {strides = array<i32>} : memref<4x576x576xf32, #tpu.memory_space<vmem>>, vector<4x24x576xf32>,
    return
  }
  func.func @transform_0(%arg0: i32) -> (i32, i32, i32) {
    %c0_i32 = arith.constant 0 : i32
    %c0_i32_0 = arith.constant 0 : i32
    %c0_i32_1 = arith.constant 0 : i32
    return %arg0, %c0_i32, %c0_i32_0 : i32, i32, i32
  }
  func.func @transform_1(%arg0: i32) -> (i32, i32, i32) {
    %c0_i32 = arith.constant 0 : i32
    %c0_i32_0 = arith.constant 0 : i32
    %c0_i32_1 = arith.constant 0 : i32
    return %arg0, %c0_i32, %c0_i32_0 : i32, i32, i32
  }
}

</mosaic_0001>

<sc_bundles>
// kernel: _run.4.cloned.1.call-start
scs
__scs_entry_jumppad:
0x0: {  	(pc) =	sbr.rel $0x88, $3  }
0x1: {  	(tag) =	ssettag $0x0;
	lr =	simm.s32 $0x1  }
0x2: {  	[smem:$0x3F9E] =	sst lr;
	_ =	strace $0xD0000000  }
0x3: {  	_ = 	snop  }
0x4: {  	_ = 	snop  }
0x5: {  	_ = 	snop  }
0x6: {  	_ = 	snop  }
0x7: {  	_ = 	snop  }
__scs_overlays_trampoline_lowered:
0x8: {  	[smem:$0x3FAD] =	sst s0  }
0x9: {  	[smem:$0x3FAE] =	sst s1  }
0xa: {  	[smem:$0x3FAF] =	sst s2  }
0xb: {  	[smem:$0x3FB0] =	sst s3  }
0xc: {  	[smem:$0x3FB1] =	sst s4  }
0xd: {  	[smem:$0x3FB2] =	sst s5  }
0xe: {  	[smem:$0x3FB3] =	sst s6  }
0xf: {  	[smem:$0x3FB4] =	sst s7  }
0x10: {  	[smem:$0x3FB5] =	sst s8  }
0x11: {  	[smem:$0x3FB6] =	sst s9;
	s0 =	simm.s32 @!p0 $0x0  }
0x12: {  	s1 =	sld [smem:$0x3F9C];
	s0 =	simm.s32 @p0 $0x1  }
0x13: {  	[smem:$0x3FB7] =	sst s0;
	s0 =	simm.s32 @!p1 $0x0  }
0x14: {  	s2 =	sld [smem:$0x3F9B];
	s0 =	simm.s32 @p1 $0x1  }
0x15: {  	[smem:$0x3FB8] =	sst s0;
	s0 =	simm.s32 @!p2 $0x0  }
0x16: {  	s3 =	sld [smem:$0x3FDB];
	s0 =	simm.s32 @p2 $0x1  }
0x17: {  	s4 =	simm.s32 $0x1BF5;
	[smem:$0x3FBA] =	sst s0  }
0x18: {  	s0 =	sld [smem:$0x3F9D];
	_ =	swait.ge [sflag:s4], $0x0  }
0x19: {  	s7 =	sld [smem:$0x3F9E]  }
0x1a: {  	s8 =	sadd.s32 $0xFFFFE003, lr  }
0x1b: {  	s9 =	sadd.s32 $0xFFFFFEF7, lr;
	s5 =	simm.s32 $0xFFFFFFFF;
	p2 =	slt.u32 s8, $0xFFFFF086  }
0x1c: {  	p1 =	slt.u32 s9, $0xF7A;
	s5 =	simm.s32 @!p2 $0x0  }
0x1d: {  	s5 =	simm.s32 @p1 $0x1;
	p0 =	seq.s32 s7, s2  }
0x1e: {  	s7 =	smul.u32 @!p0 $0xF7A, s2;
	p2 =	seq.s32 @!p0 s5, $0x0  }
0x1f: {  	s9 =	smul.u32 $0xF7A, s1;
	s8 =	simm.s32 @!p0 $0x1BF5;
	p2 =	por !p2, p0  }
0x20: {  	[sflag:s8] =	ssyncset.s32 @!p0 $0xFFFFF086;
	s6 =	sadd.s32 @!p0 s3, s7;
	s7 =	simm.s32 @!p0 $0x108  }
0x21: {  	s3 =	sadd.s32 s3, s9;
	s6 =	sadd.s32 @!p0 $0x88, s6;
	s7 =	simm.s32 @p2 $0x1082  }
0x22: {  	[simem:s7], [sflag:s8] =	dma.local @!p0 [hbm:s6], $0xF7A  }
0x23: {  	s9 =	sor.u32 $0xD0000000, s2;
	s6 =	simm.s32 $0x108;
	_ =	swait.ge @!p0 [sflag:s8], $0x0  }
0x24: {  	s3 =	sadd.s32 $0x88, s3;
	s6 =	simm.s32 @!p1 $0x1082;
	[sflag:s4] =	ssyncset.s32 $0xFFFFF086  }
0x25: {  	[simem:s6], [sflag:s4] =	dma.local [hbm:s3], $0xF7A  }
0x26: {  	[smem:$0x3F9E] =	sst s1;
	(tag) =	ssettag s2;
	_ =	strace s9  }
0x27: {  	s1 =	sld [smem:$0x3FAE]  }
0x28: {  	s2 =	sld [smem:$0x3FAF]  }
0x29: {  	s4 =	sld [smem:$0x3FB1]  }
0x2a: {  	p0 =	seq.s32 s5, $0x0;
	s5 =	sld [smem:$0x3FB2]  }
0x2b: {  	s6 =	sld [smem:$0x3FB3]  }
0x2c: {  	s7 =	sld [smem:$0x3FB4]  }
0x2d: {  	s3 =	simm.s32 $0x108;
	s8 =	sld [smem:$0x3FB5]  }
0x2e: {  	s3 =	simm.s32 @!p0 $0x1082;
	s9 =	sld [smem:$0x3FB6]  }
0x2f: {  	lr =	sadd.s32 s0, s3;
	s0 =	sld [smem:$0x3FAD]  }
0x30: {  	s3 =	sld [smem:$0x3FB0]  }
0x31: {  	[smem:$0x3FB9] =	sst s10  }
0x32: {  	s10 =	sld [smem:$0x3FB7];
	_ =	sdelay $0x3  }
0x33: {  	p0 =	seq.s32 s10, $0x1;
	s10 =	sld [smem:$0x3FB9];
	_ =	sdelay $0x3  }
0x34: {  	[smem:$0x3FB9] =	sst s10  }
0x35: {  	s10 =	sld [smem:$0x3FB8];
	_ =	sdelay $0x3  }
0x36: {  	p1 =	seq.s32 s10, $0x1;
	s10 =	sld [smem:$0x3FB9];
	_ =	sdelay $0x3  }
0x37: {  	[smem:$0x3FB9] =	sst s10  }
0x38: {  	s10 =	sld [smem:$0x3FBA]  }
0x39: {  	_ = 	snop;
	(pc) =	sbr.ind lr, $3  }
0x3a: {  	_ = 	snop  }
0x3b: {  	_ = 	snop  }
0x3c: {  	p2 =	seq.s32 s10, $0x1;
	s10 =	sld [smem:$0x3FB9]  }
0x3d: {  	_ =	shalt  }
0x3e: {  	_ =	shalt  }
0x3f: {  	_ =	shalt  }
0x40: {  	_ =	shalt  }
0x41: {  	_ =	shalt  }
0x42: {  	_ =	shalt  }
0x43: {  	_ =	shalt  }
0x44: {  	_ =	shalt  }
0x45: {  	_ =	shalt  }
0x46: {  	_ =	shalt  }
0x47: {  	_ =	shalt  }
0x48: {  	_ =	shalt  }
0x49: {  	_ =	shalt  }
0x4a: {  	_ =	shalt  }
0x4b: {  	_ =	shalt  }
0x4c: {  	_ =	shalt  }
0x4d: {  	_ =	shalt  }
0x4e: {  	_ =	shalt  }
0x4f: {  	_ =	shalt  }
0x50: {  	_ =	shalt  }
0x51: {  	_ =	shalt  }
0x52: {  	_ =	shalt  }
0x53: {  	_ =	shalt  }
0x54: {  	_ =	shalt  }
0x55: {  	_ =	shalt  }
0x56: {  	_ =	shalt  }
0x57: {  	_ =	shalt  }
0x58: {  	_ =	shalt  }
0x59: {  	_ =	shalt  }
0x5a: {  	_ =	shalt  }
0x5b: {  	_ =	shalt  }
0x5c: {  	_ =	shalt  }
0x5d: {  	_ =	shalt  }
0x5e: {  	_ =	shalt  }
0x5f: {  	_ =	shalt  }
0x60: {  	_ =	shalt  }
0x61: {  	_ =	shalt  }
0x62: {  	_ =	shalt  }
0x63: {  	_ =	shalt  }
0x64: {  	_ =	shalt  }
0x65: {  	_ =	shalt  }
0x66: {  	_ =	shalt  }
0x67: {  	_ =	shalt  }
0x68: {  	_ =	shalt  }
0x69: {  	_ =	shalt  }
0x6a: {  	_ =	shalt  }
0x6b: {  	_ =	shalt  }
0x6c: {  	_ =	shalt  }
0x6d: {  	_ =	shalt  }
0x6e: {  	_ =	shalt  }
0x6f: {  	_ =	shalt  }
0x70: {  	_ =	shalt  }
0x71: {  	_ =	shalt  }
0x72: {  	_ =	shalt  }
0x73: {  	_ =	shalt  }
0x74: {  	_ =	shalt  }
0x75: {  	_ =	shalt  }
0x76: {  	_ =	shalt  }
0x77: {  	_ =	shalt  }
0x78: {  	_ =	shalt  }
0x79: {  	_ =	shalt  }
0x7a: {  	_ =	shalt  }
0x7b: {  	_ =	shalt  }
0x7c: {  	_ =	shalt  }
0x7d: {  	_ =	shalt  }
0x7e: {  	_ =	shalt  }
0x7f: {  	_ =	shalt  }
0x80: {  	_ =	shalt  }
0x81: {  	_ =	shalt  }
0x82: {  	_ =	shalt  }
0x83: {  	_ =	shalt  }
0x84: {  	_ =	shalt  }
0x85: {  	_ =	shalt  }
0x86: {  	_ =	shalt  }
0x87: {  	_ =	shalt  }
.Lfunc_end0:
.L_simem_size_0:
called_computation_lowered:
.L_overlay_start_0:
0x88: {  	s2 =	sld [smem:$0x3FD9]  }
0x89: {  	s3 =	sld [smem:$0x3FFE];
	_ =	sdelay $0x1  }
0x8a: {  	s1 =	srdreg.scid  }
0x8b: {  	s0 =	sand.u32 $0x1, s1  }
0x8c: {  	s18 =	sshll.u32 s0, $0xA;
	s2 =	sadd.s32 s3, s2  }
0x8d: {  	s2 =	sadd.s32 s2, s18  }
0x8e: {  	[smem:$0x3FC5] =	sst s2  }
0x8f: {  	_ = 	snop  }
0x90: {  	s2 =	sld [smem:$0x3FC9]  }
0x91: {  	s19 =	sld [smem:$0x3FC8]  }
0x92: {  	s4 =	sld [smem:$0x3FC7]  }
0x93: {  	s5 =	sld [smem:$0x3FD0];
	(tm) =	ssettm $0x1  }
0x94: {  	s6 =	sld [smem:$0x3FFB];
	_ =	sdelay $0x3  }
0x95: {  	_ =	strace s6  }
0x96: {  	s6 =	sld [smem:$0x3FFC];
	_ =	sdelay $0x3  }
0x97: {  	_ =	strace s6  }
0x98: {  	s6 =	sld [smem:$0x3FFD];
	_ =	sdelay $0x3  }
0x99: {  	_ =	strace s6  }
0x9a: {  	_ =	strace $0x8FFFFFFF  }
0x9b: {  	s20 =	sld [smem:$0x3FDB];
	_ =	sdelay $0x1  }
0x9c: {  	s7 =	simm.s32 $_scs_section_size  }
0x9d: {  	s8 =	simm.s32 $_size__tile_overlayer_lowered;
	s9 =	simm.s32 $_tile_overlayer_lowered  }
0x9e: {  	s23 =	simm.s32 $0x1BFF;
	s22 =	sshll.u32 s9, $0x1;
	s6 =	sadd.s32 s7, s20  }
0x9f: {  	s10 =	simm.s32 $0x0;
	s21 =	sshll.u32 s8, $0x1;
	s8 =	sadd.s32 s22, s6  }
0xa0: {  	[timem:s10], [sflag:s23] =	dma.local [hbm:s8], s21  }
0xa1: {  	_ =	swait.ge [sflag:s23], s21  }
0xa2: {  	s7 =	ssub.s32 $0x0, s21;
	[sflag:s23] =	ssyncset.done $0x0  }
0xa3: {  	[sflag:s23] =	ssyncadd.s32 s7;
	_ =	sdelay $0x1  }
0xa4: {  	s24 =	simm.s32 $0x1B8B  }
0xa5: {  	_ =	swait.ge [sflag:s24], $0x1  }
0xa6: {  	[sflag:s24] =	ssyncset.done $0x0  }
0xa7: {  	s25 =	simm.s32 $0x1B8E;
	[sflag:s24] =	ssyncadd.s32 $0xFFFFFFFF  }
0xa8: {  	s26 =	simm.s32 $execute0_lowered;
	[smem:$0x3FD2] =	sst s25  }
0xa9: {  	s7 =	sshll.u32 s26, $0x1;
	_ =	strace $0x80000046;
	[dreg:$0x1] =	wrdreg $0xFFFFFFFF  }
0xaa: {  	s28 =	simm.s32 $_size_execute0_lowered;
	s6 =	sadd.s32 s6, s7;
	[dreg:$0x0] =	wrdreg $0x0  }
0xab: {  	s7 =	sshll.u32 s28, $0x1;
	[dreg:$0x2] =	wrdreg s6  }
0xac: {  	[dreg:$0x3] =	wrdreg s7  }
0xad: {  	[dreg:$0x4] =	wrdreg $0xC0  }
0xae: {  	_ =	task [dreg:s10], $0x5FFFF  }
0xaf: {  	[dreg:$0x1] =	wrdreg $0xFFFFFFFF  }
0xb0: {  	[dreg:$0x0] =	wrdreg $0x60  }
0xb1: {  	[dreg:$0x2] =	wrdreg s2  }
0xb2: {  	[dreg:$0x3] =	wrdreg s19  }
0xb3: {  	[dreg:$0x4] =	wrdreg s4  }
0xb4: {  	[dreg:$0x5] =	wrdreg s5  }
0xb5: {  	[dreg:$0x6] =	wrdreg $0x9  }
0xb6: {  	_ =	task.clear_ibuf [dreg:s10], $0x7FFFF;
	_ =	strace $0x90000046  }
0xb7: {  	s29 =	simm.s32 $0x9;
	_ =	strace $0x80000048  }
0xb8: {  	_ =	swait.ge [sflag:s29], $0x1  }
0xb9: {  	[sflag:s29] =	ssyncadd.s32 $0xFFFFFFFF  }
0xba: {  	_ =	strace $0x90000048  }
0xbb: {  	_ =	sfence  }
0xbc: {  	s30 =	sld [smem:$0x0];
	_ =	sdelay $0x2  }
0xbd: {  	s31 =	sshll.u32 s1, $0xD;
	s1 =	sshrl.u32 s1, $0x2  }
0xbe: {  	s3 =	sand.u32 $0x4000, s31;
	s1 =	sadd.s32 s1, s30  }
0xbf: {  	s0 =	sor.u32 s3, s0;
	s1 =	sshll.u32 s1, $0x11  }
0xc0: {  	s0 =	sor.u32 s1, s0  }
0xc1: {  	s0 =	sadd.s32 $0x8F2B, s0  }
0xc2: {  	[sflag:s0] =	ssyncadd.remote.s32 $0x1  }
0xc3: {  	_ =	sfence.sel $0xFFFF  }
0xc4: {  	[dreg:$0x0] =	wrdreg $0xFFFFFFFF;
	(pc) =	sbr.abs _section_cstart, $3  }
0xc5: {  	[dreg:$0x1] =	wrdreg $0xFFFFFFFF  }
0xc6: {  	_ =	task.clear_ibuf [dreg:s10], $0x2FFFF;
	_ =	strace $0x9FFFFFFF  }
0xc7: {  	(tm) =	ssettm $0x7FFFFFFF  }
tec
execute0_lowered:
.L_overlay_start_1:
0x0: {  	(tag) =	ssettag $0x1  }
0x1: {  	s6 =	rddreg [dreg:$0x0]  }
0x2: {  	s1 =	rddreg [dreg:$0x1];
	s2 =	srdreg.scid  }
0x3: {  	s0 =	stileid.u32;
	s3 =	rddreg [dreg:$0x2]  }
0x4: {  	s7 =	rddreg [dreg:$0x3];
	s4 =	simm.s32 $0x0;
	s11 =	simm.s32 $0x1  }
0x5: {  	s12 =	simm.s32 $0x7500;
	s5 =	sand.u32 $0x1, s2;
	s31 =	sshll.u32 s0, $0x1  }
0x6: {  	s13 =	simm.s32 $0xBD00;
	s14 =	simm.s32 $0x0;
	s8 =	sor.u32 s5, s31  }
0x7: {  	s2 =	rddreg [dreg:$0x4];
	s5 =	ssub.s32 $0x2, s5;
	s9 =	smul.u32 $0x6C00, s8  }
0x8: {  	[smem:$0x7FF] =	sst s4;
	s10 =	sshrl.u32 s5, $0x1;
	s8 =	smul.u32 $0x120, s8  }
0x9: {  	_ =	strace $0x80000047;
	s10 =	ssub.s32 s5, s10;
	s9 =	sshrl.u32 s9, $0x3  }
0xa: {  	s6 =	sadd.s32 s6, s8;
	s8 =	smax.u32 s10, $0x1;
	s5 =	sadd.s32 s7, s9  }
0xb: {  	s10 =	simm.s32 $0x3F00;
	s9 =	simm.s32 $0x900;
	s7 =	sadd.s32 $0x900, s5  }
.LBB2_1:
0xc: {  	[tilespmem:s4], [sflag:$0x1] =	stream.linear.gather [hbm4b:s6+s4], $0x900, $0x38;
	[tilespmem:$0xE100] =	vst v63  }
0xd: {  	_ = 	snop  }
0xe: {  	[tilespmem:s9], [sflag:$0x1] =	stream.linear.gather [hbm4b:s1+s4], $0x3600, $0x38;
	[tilespmem:$0xE100] =	vst v63  }
0xf: {  	_ = 	snop  }
0x10: {  	[tilespmem:s10], [sflag:$0x1] =	stream.linear.gather [hbm4b:s3+s4], $0x3600, $0x38;
	[tilespmem:$0xE100] =	vst v63  }
0x11: {  	_ =	swait.ge [sflag:s11], $0x900  }
0x12: {  	[sflag:s11] =	ssyncset.done $0x0  }
0x13: {  	[sflag:s11] =	ssyncadd.s32 $0xFFFFF700  }
0x14: {  	_ =	swait.ge [sflag:s11], $0x3600  }
0x15: {  	[sflag:s11] =	ssyncset.done $0x0  }
0x16: {  	[sflag:s11] =	ssyncadd.s32 $0xFFFFCA00  }
0x17: {  	s15 =	simm.s32 $0x4020;
	_ =	swait.ge [sflag:s11], $0x3600  }
0x18: {  	s16 =	simm.s32 $0xA18;
	s17 =	simm.s32 $0x0;
	[sflag:s11] =	ssyncset.done $0x0  }
0x19: {  	s18 =	simm.s32 $0x0;
	s19 =	simm.s32 $0x0;
	[sflag:s11] =	ssyncadd.s32 $0xFFFFCA00  }
.LBB2_2:
0x1a: {  	v0 =	vld [tilespmem:s15+$0xFFFFFEE0]  }
0x1b: {  	v1 =	vld [tilespmem:s15+$0xFFFFFEF0]  }
0x1c: {  	v2 =	vld [tilespmem:s15+$0xFFFFFF00]  }
0x1d: {  	v3 =	vld [tilespmem:s15+$0xFFFFFF10]  }
0x1e: {  	v4 =	vld [tilespmem:s15+$0xFFFFFF20]  }
0x1f: {  	v5 =	vld [tilespmem:s15+$0xFFFFFF30]  }
0x20: {  	v6 =	vld [tilespmem:s15+$0xFFFFFF40]  }
0x21: {  	v7 =	vld [tilespmem:s15+$0xFFFFFF50]  }
0x22: {  	v9 =	vld [tilespmem:s15+$0xFFFFFF70]  }
0x23: {  	v10 =	vld [tilespmem:s15+$0xFFFFFF80]  }
0x24: {  	s21 =	sand.u32 $0x3FC0, s17;
	v11 =	vld [tilespmem:s15+$0xFFFFFF90]  }
0x25: {  	v8 =	vld [tilespmem:s21+$0x3F80]  }
0x26: {  	v0 =	vld.idx.msk [tilespmem:v0+s4+$0x0], $0xffff  }
0x27: {  	v1 =	vld.idx.msk [tilespmem:v1+s4+$0x0], $0xffff  }
0x28: {  	v2 =	vld.idx.msk [tilespmem:v2+s4+$0x0], $0xffff  }
0x29: {  	v3 =	vld.idx.msk [tilespmem:v3+s4+$0x0], $0xffff  }
0x2a: {  	v4 =	vld.idx.msk [tilespmem:v4+s4+$0x0], $0xffff  }
0x2b: {  	v5 =	vld.idx.msk [tilespmem:v5+s4+$0x0], $0xffff  }
0x2c: {  	s20 =	sshrl.u32 s19, $0x3;
	v6 =	vld.idx.msk [tilespmem:v6+s4+$0x0], $0xffff  }
0x2d: {  	s20 =	smul.u32 $0x9000, s20;
	v7 =	vld.idx.msk [tilespmem:v7+s4+$0x0], $0xffff  }
0x2e: {  	v9 =	vld.idx.msk [tilespmem:v9+s4+$0x0], $0xffff  }
0x2f: {  	s22 =	sand.u32 $0x380, s18;
	s20 =	sshra.s32 s20, $0x2;
	v10 =	vld.idx.msk [tilespmem:v10+s4+$0x0], $0xffff  }
0x30: {  	s20 =	sor.u32 s22, s20;
	v11 =	vld.idx.msk [tilespmem:v11+s4+$0x0], $0xffff  }
0x31: {  	v8 =	vld.idx.msk [tilespmem:v8+s4+$0x0], $0xffff;
	[tilespmem:s20+$0x7500] =	vst v0  }
0x32: {  	[tilespmem:s20+$0x7510] =	vst v1  }
0x33: {  	[tilespmem:s20+$0x7520] =	vst v2  }
0x34: {  	[tilespmem:s20+$0x7530] =	vst v3  }
0x35: {  	[tilespmem:s20+$0x7540] =	vst v4  }
0x36: {  	[tilespmem:s20+$0x7550] =	vst v5  }
0x37: {  	[tilespmem:s20+$0x7560] =	vst v6  }
0x38: {  	[tilespmem:s20+$0x7570] =	vst v7  }
0x39: {  	[tilespmem:s20+$0x7910] =	vst v9  }
0x3a: {  	[tilespmem:s20+$0x7920] =	vst v10  }
0x3b: {  	[tilespmem:s20+$0x7930] =	vst v11  }
0x3c: {  	[tilespmem:s20+$0x7900] =	vst v8  }
0x3d: {  	v0 =	vld [tilespmem:s15+$0xFFFFFFA0]  }
0x3e: {  	v1 =	vld [tilespmem:s15+$0xFFFFFFB0]  }
0x3f: {  	v2 =	vld [tilespmem:s15+$0xFFFFFFC0]  }
0x40: {  	v3 =	vld [tilespmem:s15+$0xFFFFFFD0]  }
0x41: {  	v4 =	vld [tilespmem:s21+$0x4000]  }
0x42: {  	v5 =	vld [tilespmem:s15+$0xFFFFFFF0]  }
0x43: {  	v6 =	vld [tilespmem:s15+$0x0]  }
0x44: {  	v7 =	vld [tilespmem:s15+$0x10]  }
0x45: {  	v8 =	vld [tilespmem:s15+$0x20]  }
0x46: {  	v9 =	vld [tilespmem:s15+$0x30]  }
0x47: {  	v10 =	vld [tilespmem:s15+$0x40]  }
0x48: {  	v11 =	vld [tilespmem:s15+$0x50]  }
0x49: {  	v0 =	vld.idx.msk [tilespmem:v0+s4+$0x0], $0xffff  }
0x4a: {  	v1 =	vld.idx.msk [tilespmem:v1+s4+$0x0], $0xffff  }
0x4b: {  	v2 =	vld.idx.msk [tilespmem:v2+s4+$0x0], $0xffff  }
0x4c: {  	v3 =	vld.idx.msk [tilespmem:v3+s4+$0x0], $0xffff  }
0x4d: {  	v4 =	vld.idx.msk [tilespmem:v4+s4+$0x0], $0xffff  }
0x4e: {  	v5 =	vld.idx.msk [tilespmem:v5+s4+$0x0], $0xffff  }
0x4f: {  	v6 =	vld.idx.msk [tilespmem:v6+s4+$0x0], $0xffff  }
0x50: {  	v7 =	vld.idx.msk [tilespmem:v7+s4+$0x0], $0xffff  }
0x51: {  	v8 =	vld.idx.msk [tilespmem:v8+s4+$0x0], $0xffff  }
0x52: {  	v9 =	vld.idx.msk [tilespmem:v9+s4+$0x0], $0xffff  }
0x53: {  	v10 =	vld.idx.msk [tilespmem:v10+s4+$0x0], $0xffff  }
0x54: {  	v11 =	vld.idx.msk [tilespmem:v11+s4+$0x0], $0xffff;
	[tilespmem:s20+$0x7940] =	vst v0  }
0x55: {  	[tilespmem:s20+$0x7950] =	vst v1  }
0x56: {  	[tilespmem:s20+$0x7960] =	vst v2  }
0x57: {  	[tilespmem:s20+$0x7970] =	vst v3  }
0x58: {  	[tilespmem:s20+$0x7D00] =	vst v4  }
0x59: {  	[tilespmem:s20+$0x7D10] =	vst v5  }
0x5a: {  	[tilespmem:s20+$0x7D20] =	vst v6  }
0x5b: {  	[tilespmem:s20+$0x7D30] =	vst v7  }
0x5c: {  	[tilespmem:s20+$0x7D40] =	vst v8  }
0x5d: {  	[tilespmem:s20+$0x7D50] =	vst v9  }
0x5e: {  	[tilespmem:s20+$0x7D60] =	vst v10  }
0x5f: {  	[tilespmem:s20+$0x7D70] =	vst v11  }
0x60: {  	v0 =	vld [tilespmem:s21+$0x4080]  }
0x61: {  	v1 =	vld [tilespmem:s15+$0x70]  }
0x62: {  	v2 =	vld [tilespmem:s15+$0x80]  }
0x63: {  	v3 =	vld [tilespmem:s15+$0x90]  }
0x64: {  	v4 =	vld [tilespmem:s15+$0xA0]  }
0x65: {  	v5 =	vld [tilespmem:s15+$0xB0]  }
0x66: {  	v6 =	vld [tilespmem:s15+$0xC0]  }
0x67: {  	v7 =	vld [tilespmem:s15+$0xD0]  }
0x68: {  	v8 =	vld [tilespmem:s21+$0x4100]  }
0x69: {  	v9 =	vld [tilespmem:s15+$0xF0]  }
0x6a: {  	v10 =	vld [tilespmem:s15+$0x100]  }
0x6b: {  	v11 =	vld [tilespmem:s15+$0x110]  }
0x6c: {  	v0 =	vld.idx.msk [tilespmem:v0+s4+$0x0], $0xffff  }
0x6d: {  	v1 =	vld.idx.msk [tilespmem:v1+s4+$0x0], $0xffff  }
0x6e: {  	v2 =	vld.idx.msk [tilespmem:v2+s4+$0x0], $0xffff  }
0x6f: {  	v3 =	vld.idx.msk [tilespmem:v3+s4+$0x0], $0xffff  }
0x70: {  	v4 =	vld.idx.msk [tilespmem:v4+s4+$0x0], $0xffff  }
0x71: {  	v5 =	vld.idx.msk [tilespmem:v5+s4+$0x0], $0xffff  }
0x72: {  	v6 =	vld.idx.msk [tilespmem:v6+s4+$0x0], $0xffff  }
0x73: {  	v7 =	vld.idx.msk [tilespmem:v7+s4+$0x0], $0xffff  }
0x74: {  	v8 =	vld.idx.msk [tilespmem:v8+s4+$0x0], $0xffff  }
0x75: {  	v9 =	vld.idx.msk [tilespmem:v9+s4+$0x0], $0xffff  }
0x76: {  	v10 =	vld.idx.msk [tilespmem:v10+s4+$0x0], $0xffff  }
0x77: {  	v11 =	vld.idx.msk [tilespmem:v11+s4+$0x0], $0xffff;
	[tilespmem:s20+$0x8100] =	vst v0  }
0x78: {  	[tilespmem:s20+$0x8110] =	vst v1  }
0x79: {  	[tilespmem:s20+$0x8120] =	vst v2  }
0x7a: {  	[tilespmem:s20+$0x8130] =	vst v3  }
0x7b: {  	[tilespmem:s20+$0x8140] =	vst v4  }
0x7c: {  	[tilespmem:s20+$0x8150] =	vst v5  }
0x7d: {  	[tilespmem:s20+$0x8160] =	vst v6  }
0x7e: {  	[tilespmem:s20+$0x8170] =	vst v7  }
0x7f: {  	[tilespmem:s20+$0x8500] =	vst v8  }
0x80: {  	[tilespmem:s20+$0x8510] =	vst v9  }
0x81: {  	[tilespmem:s20+$0x8520] =	vst v10  }
0x82: {  	[tilespmem:s20+$0x8530] =	vst v11  }
0x83: {  	v0 =	vld [tilespmem:s16+$0xFFFFFF00]  }
0x84: {  	v1 =	vld [tilespmem:s16+$0xFFFFFF10]  }
0x85: {  	v2 =	vld [tilespmem:s16+$0xFFFFFF20]  }
0x86: {  	v3 =	vld [tilespmem:s16+$0xFFFFFF30]  }
0x87: {  	v4 =	vld [tilespmem:s16+$0xFFFFFF40]  }
0x88: {  	v5 =	vld [tilespmem:s16+$0xFFFFFF50]  }
0x89: {  	v6 =	vld [tilespmem:s16+$0xFFFFFF60]  }
0x8a: {  	v7 =	vld [tilespmem:s16+$0xFFFFFF70]  }
0x8b: {  	v8 =	vld [tilespmem:s16+$0xFFFFFF80]  }
0x8c: {  	v9 =	vld [tilespmem:s16+$0xFFFFFF90]  }
0x8d: {  	v10 =	vld [tilespmem:s16+$0xFFFFFFA0]  }
0x8e: {  	v11 =	vld [tilespmem:s16+$0xFFFFFFB0]  }
0x8f: {  	v0 =	vld.idx.msk [tilespmem:v0+s4+$0x0], $0xffff  }
0x90: {  	v1 =	vld.idx.msk [tilespmem:v1+s4+$0x0], $0xffff  }
0x91: {  	v2 =	vld.idx.msk [tilespmem:v2+s4+$0x0], $0xffff  }
0x92: {  	v3 =	vld.idx.msk [tilespmem:v3+s4+$0x0], $0xffff  }
0x93: {  	v4 =	vld.idx.msk [tilespmem:v4+s4+$0x0], $0xffff  }
0x94: {  	v5 =	vld.idx.msk [tilespmem:v5+s4+$0x0], $0xffff  }
0x95: {  	v6 =	vld.idx.msk [tilespmem:v6+s4+$0x0], $0xffff  }
0x96: {  	v7 =	vld.idx.msk [tilespmem:v7+s4+$0x0], $0xffff  }
0x97: {  	v8 =	vld.idx.msk [tilespmem:v8+s4+$0x0], $0xffff  }
0x98: {  	v9 =	vld.idx.msk [tilespmem:v9+s4+$0x0], $0xffff  }
0x99: {  	v10 =	vld.idx.msk [tilespmem:v10+s4+$0x0], $0xffff  }
0x9a: {  	v11 =	vld.idx.msk [tilespmem:v11+s4+$0x0], $0xffff;
	[tilespmem:s20+$0x8540] =	vst v0  }
0x9b: {  	[tilespmem:s20+$0x8550] =	vst v1  }
0x9c: {  	[tilespmem:s20+$0x8560] =	vst v2  }
0x9d: {  	[tilespmem:s20+$0x8570] =	vst v3  }
0x9e: {  	[tilespmem:s20+$0x8900] =	vst v4  }
0x9f: {  	[tilespmem:s20+$0x8910] =	vst v5  }
0xa0: {  	[tilespmem:s20+$0x8920] =	vst v6  }
0xa1: {  	[tilespmem:s20+$0x8930] =	vst v7  }
0xa2: {  	[tilespmem:s20+$0x8940] =	vst v8  }
0xa3: {  	[tilespmem:s20+$0x8950] =	vst v9  }
0xa4: {  	[tilespmem:s20+$0x8960] =	vst v10  }
0xa5: {  	[tilespmem:s20+$0x8970] =	vst v11  }
0xa6: {  	v0 =	vld [tilespmem:s16+$0xFFFFFFC0]  }
0xa7: {  	v1 =	vld [tilespmem:s16+$0xFFFFFFD0]  }
0xa8: {  	v2 =	vld [tilespmem:s16+$0xFFFFFFE0]  }
0xa9: {  	v3 =	vld [tilespmem:s16+$0xFFFFFFF0]  }
0xaa: {  	v4 =	vld [tilespmem:s16+$0x0]  }
0xab: {  	v5 =	vld [tilespmem:s16+$0x10]  }
0xac: {  	v6 =	vld [tilespmem:s16+$0x20]  }
0xad: {  	v7 =	vld [tilespmem:s16+$0x30]  }
0xae: {  	v8 =	vld [tilespmem:s16+$0x40]  }
0xaf: {  	v9 =	vld [tilespmem:s16+$0x50]  }
0xb0: {  	v10 =	vld [tilespmem:s16+$0x60]  }
0xb1: {  	v11 =	vld [tilespmem:s16+$0x70]  }
0xb2: {  	v0 =	vld.idx.msk [tilespmem:v0+s4+$0x0], $0xffff  }
0xb3: {  	v1 =	vld.idx.msk [tilespmem:v1+s4+$0x0], $0xffff  }
0xb4: {  	v2 =	vld.idx.msk [tilespmem:v2+s4+$0x0], $0xffff  }
0xb5: {  	v3 =	vld.idx.msk [tilespmem:v3+s4+$0x0], $0xffff  }
0xb6: {  	v4 =	vld.idx.msk [tilespmem:v4+s4+$0x0], $0xffff  }
0xb7: {  	v5 =	vld.idx.msk [tilespmem:v5+s4+$0x0], $0xffff  }
0xb8: {  	v6 =	vld.idx.msk [tilespmem:v6+s4+$0x0], $0xffff  }
0xb9: {  	v7 =	vld.idx.msk [tilespmem:v7+s4+$0x0], $0xffff  }
0xba: {  	v8 =	vld.idx.msk [tilespmem:v8+s4+$0x0], $0xffff  }
0xbb: {  	v9 =	vld.idx.msk [tilespmem:v9+s4+$0x0], $0xffff  }
0xbc: {  	v10 =	vld.idx.msk [tilespmem:v10+s4+$0x0], $0xffff  }
0xbd: {  	v11 =	vld.idx.msk [tilespmem:v11+s4+$0x0], $0xffff;
	[tilespmem:s20+$0x8D00] =	vst v0  }
0xbe: {  	[tilespmem:s20+$0x8D10] =	vst v1  }
0xbf: {  	[tilespmem:s20+$0x8D20] =	vst v2  }
0xc0: {  	[tilespmem:s20+$0x8D30] =	vst v3  }
0xc1: {  	[tilespmem:s20+$0x8D40] =	vst v4  }
0xc2: {  	[tilespmem:s20+$0x8D50] =	vst v5  }
0xc3: {  	[tilespmem:s20+$0x8D60] =	vst v6  }
0xc4: {  	[tilespmem:s20+$0x8D70] =	vst v7  }
0xc5: {  	[tilespmem:s20+$0x9100] =	vst v8  }
0xc6: {  	[tilespmem:s20+$0x9110] =	vst v9  }
0xc7: {  	[tilespmem:s20+$0x9120] =	vst v10  }
0xc8: {  	[tilespmem:s20+$0x9130] =	vst v11  }
0xc9: {  	v0 =	vld [tilespmem:s16+$0x80]  }
0xca: {  	v1 =	vld [tilespmem:s16+$0x90]  }
0xcb: {  	v2 =	vld [tilespmem:s16+$0xA0]  }
0xcc: {  	v3 =	vld [tilespmem:s16+$0xB0]  }
0xcd: {  	v4 =	vld [tilespmem:s16+$0xC0]  }
0xce: {  	v5 =	vld [tilespmem:s16+$0xD0]  }
0xcf: {  	v6 =	vld [tilespmem:s16+$0xE0]  }
0xd0: {  	v7 =	vld [tilespmem:s16+$0xF0]  }
0xd1: {  	v8 =	vld [tilespmem:s16+$0x100]  }
0xd2: {  	v9 =	vld [tilespmem:s16+$0x110]  }
0xd3: {  	v10 =	vld [tilespmem:s16+$0x118]  }
0xd4: {  	v0 =	vld.idx.msk [tilespmem:v0+s4+$0x0], $0xffff  }
0xd5: {  	v1 =	vld.idx.msk [tilespmem:v1+s4+$0x0], $0xffff  }
0xd6: {  	v2 =	vld.idx.msk [tilespmem:v2+s4+$0x0], $0xffff  }
0xd7: {  	v3 =	vld.idx.msk [tilespmem:v3+s4+$0x0], $0xffff  }
0xd8: {  	v4 =	vld.idx.msk [tilespmem:v4+s4+$0x0], $0xffff  }
0xd9: {  	v5 =	vld.idx.msk [tilespmem:v5+s4+$0x0], $0xffff  }
0xda: {  	v6 =	vld.idx.msk [tilespmem:v6+s4+$0x0], $0xffff  }
0xdb: {  	v7 =	vld.idx.msk [tilespmem:v7+s4+$0x0], $0xffff  }
0xdc: {  	v8 =	vld.idx.msk [tilespmem:v8+s4+$0x0], $0xffff  }
0xdd: {  	v9 =	vld.idx.msk [tilespmem:v9+s4+$0x0], $0xffff  }
0xde: {  	v10 =	vld.idx.msk [tilespmem:v10+s4+$0x0], $0xffff;
	[tilespmem:s20+$0x9140] =	vst v0  }
0xdf: {  	[tilespmem:s20+$0x9150] =	vst v1  }
0xe0: {  	[tilespmem:s20+$0x9160] =	vst v2  }
0xe1: {  	[tilespmem:s20+$0x9170] =	vst v3  }
0xe2: {  	[tilespmem:s20+$0x9500] =	vst v4  }
0xe3: {  	p0 =	sne.s32 s19, $0xF;
	[tilespmem:s20+$0x9510] =	vst v5  }
.Ltmp0:
0xe4: {  	[tilespmem:s20+$0x9520] =	vst v6;
	(pc) =	sbr.rel @p0 .LBB2_2-.Ltmp0, $4  }
0xe5: {  	[tilespmem:s20+$0x9530] =	vst v7  }
0xe6: {  	[tilespmem:s20+$0x9540] =	vst v8  }
0xe7: {  	s18 =	sadd.s32 $0x80, s18;
	s17 =	sadd.s32 $0x240, s17;
	[tilespmem:s20+$0x9550] =	vst v9  }
0xe8: {  	s19 =	sadd.s32 $0x1, s19;
	s15 =	sadd.s32 $0x240, s15;
	s16 =	sadd.s32 $0x240, s16;
	[tilespmem:s20+$0x9558] =	vst v10  }
0xe9: {  	s15 =	simm.s32 $0x0;
	s16 =	simm.s32 $0x10  }
0xea: {  	s17 =	simm.s32 $0x6530;
	s18 =	simm.s32 $0x2400;
	s19 =	simm.s32 $0x2F30  }
0xeb: {  	[hbm4b:s5+s15] =	stream.linear.scatter [tilespmem:s12], [sflag:$0x1], $0x4800, $0x38;
	[tilespmem:$0xE100] =	vst v63  }
.LBB2_4:
0xec: {  	v0 =	vld [tilespmem:s17+$0xFFFFFDD0]  }
0xed: {  	v1 =	vld [tilespmem:s17+$0xFFFFFDE0]  }
0xee: {  	v2 =	vld [tilespmem:s17+$0xFFFFFDF0]  }
0xef: {  	v3 =	vld [tilespmem:s17+$0xFFFFFE00]  }
0xf0: {  	v4 =	vld [tilespmem:s17+$0xFFFFFE10]  }
0xf1: {  	v5 =	vld [tilespmem:s17+$0xFFFFFE20]  }
0xf2: {  	v6 =	vld [tilespmem:s17+$0xFFFFFE30]  }
0xf3: {  	v7 =	vld [tilespmem:s17+$0xFFFFFE40]  }
0xf4: {  	v9 =	vld [tilespmem:s17+$0xFFFFFE60]  }
0xf5: {  	v10 =	vld [tilespmem:s17+$0xFFFFFE70]  }
0xf6: {  	s21 =	sand.u32 $0x7FC0, s18;
	v11 =	vld [tilespmem:s17+$0xFFFFFE80]  }
0xf7: {  	v8 =	vld [tilespmem:s21+$0x3F80]  }
0xf8: {  	v0 =	vld.idx.msk [tilespmem:v0+s4+$0x0], $0xffff  }
0xf9: {  	v1 =	vld.idx.msk [tilespmem:v1+s4+$0x0], $0xffff  }
0xfa: {  	v2 =	vld.idx.msk [tilespmem:v2+s4+$0x0], $0xffff  }
0xfb: {  	v3 =	vld.idx.msk [tilespmem:v3+s4+$0x0], $0xffff  }
0xfc: {  	v4 =	vld.idx.msk [tilespmem:v4+s4+$0x0], $0xffff  }
0xfd: {  	v5 =	vld.idx.msk [tilespmem:v5+s4+$0x0], $0xffff  }
0xfe: {  	s20 =	sshrl.u32 s16, $0x3;
	v6 =	vld.idx.msk [tilespmem:v6+s4+$0x0], $0xffff  }
0xff: {  	s20 =	smul.u32 $0x9000, s20;
	v7 =	vld.idx.msk [tilespmem:v7+s4+$0x0], $0xffff  }
0x100: {  	v9 =	vld.idx.msk [tilespmem:v9+s4+$0x0], $0xffff  }
0x101: {  	s22 =	sshra.s32 s15, $0x2;
	s20 =	sshra.s32 s20, $0x2;
	v10 =	vld.idx.msk [tilespmem:v10+s4+$0x0], $0xffff  }
0x102: {  	s20 =	sadd.s32 s22, s20;
	v11 =	vld.idx.msk [tilespmem:v11+s4+$0x0], $0xffff  }
0x103: {  	v8 =	vld.idx.msk [tilespmem:v8+s4+$0x0], $0xffff;
	[tilespmem:s20+$0x7500] =	vst v0  }
0x104: {  	[tilespmem:s20+$0x7510] =	vst v1  }
0x105: {  	[tilespmem:s20+$0x7520] =	vst v2  }
0x106: {  	[tilespmem:s20+$0x7530] =	vst v3  }
0x107: {  	[tilespmem:s20+$0x7540] =	vst v4  }
0x108: {  	[tilespmem:s20+$0x7550] =	vst v5  }
0x109: {  	[tilespmem:s20+$0x7560] =	vst v6  }
0x10a: {  	[tilespmem:s20+$0x7570] =	vst v7  }
0x10b: {  	[tilespmem:s20+$0x7910] =	vst v9  }
0x10c: {  	[tilespmem:s20+$0x7920] =	vst v10  }
0x10d: {  	[tilespmem:s20+$0x7930] =	vst v11  }
0x10e: {  	[tilespmem:s20+$0x7900] =	vst v8  }
0x10f: {  	v0 =	vld [tilespmem:s17+$0xFFFFFE90]  }
0x110: {  	v1 =	vld [tilespmem:s17+$0xFFFFFEA0]  }
0x111: {  	v2 =	vld [tilespmem:s17+$0xFFFFFEB0]  }
0x112: {  	v3 =	vld [tilespmem:s17+$0xFFFFFEC0]  }
0x113: {  	v4 =	vld [tilespmem:s21+$0x4000]  }
0x114: {  	v5 =	vld [tilespmem:s17+$0xFFFFFEE0]  }
0x115: {  	v6 =	vld [tilespmem:s17+$0xFFFFFEF0]  }
0x116: {  	v7 =	vld [tilespmem:s17+$0xFFFFFF00]  }
0x117: {  	v8 =	vld [tilespmem:s17+$0xFFFFFF10]  }
0x118: {  	v9 =	vld [tilespmem:s17+$0xFFFFFF20]  }
0x119: {  	v10 =	vld [tilespmem:s17+$0xFFFFFF30]  }
0x11a: {  	v11 =	vld [tilespmem:s17+$0xFFFFFF40]  }
0x11b: {  	v0 =	vld.idx.msk [tilespmem:v0+s4+$0x0], $0xffff  }
0x11c: {  	v1 =	vld.idx.msk [tilespmem:v1+s4+$0x0], $0xffff  }
0x11d: {  	v2 =	vld.idx.msk [tilespmem:v2+s4+$0x0], $0xffff  }
0x11e: {  	v3 =	vld.idx.msk [tilespmem:v3+s4+$0x0], $0xffff  }
0x11f: {  	v4 =	vld.idx.msk [tilespmem:v4+s4+$0x0], $0xffff  }
0x120: {  	v5 =	vld.idx.msk [tilespmem:v5+s4+$0x0], $0xffff  }
0x121: {  	v6 =	vld.idx.msk [tilespmem:v6+s4+$0x0], $0xffff  }
0x122: {  	v7 =	vld.idx.msk [tilespmem:v7+s4+$0x0], $0xffff  }
0x123: {  	v8 =	vld.idx.msk [tilespmem:v8+s4+$0x0], $0xffff  }
0x124: {  	v9 =	vld.idx.msk [tilespmem:v9+s4+$0x0], $0xffff  }
0x125: {  	v10 =	vld.idx.msk [tilespmem:v10+s4+$0x0], $0xffff  }
0x126: {  	v11 =	vld.idx.msk [tilespmem:v11+s4+$0x0], $0xffff;
	[tilespmem:s20+$0x7940] =	vst v0  }
0x127: {  	[tilespmem:s20+$0x7950] =	vst v1  }
0x128: {  	[tilespmem:s20+$0x7960] =	vst v2  }
0x129: {  	[tilespmem:s20+$0x7970] =	vst v3  }
0x12a: {  	[tilespmem:s20+$0x7D00] =	vst v4  }
0x12b: {  	[tilespmem:s20+$0x7D10] =	vst v5  }
0x12c: {  	[tilespmem:s20+$0x7D20] =	vst v6  }
0x12d: {  	[tilespmem:s20+$0x7D30] =	vst v7  }
0x12e: {  	[tilespmem:s20+$0x7D40] =	vst v8  }
0x12f: {  	[tilespmem:s20+$0x7D50] =	vst v9  }
0x130: {  	[tilespmem:s20+$0x7D60] =	vst v10  }
0x131: {  	[tilespmem:s20+$0x7D70] =	vst v11  }
0x132: {  	v0 =	vld [tilespmem:s21+$0x4080]  }
0x133: {  	v1 =	vld [tilespmem:s17+$0xFFFFFF60]  }
0x134: {  	v2 =	vld [tilespmem:s17+$0xFFFFFF70]  }
0x135: {  	v3 =	vld [tilespmem:s17+$0xFFFFFF80]  }
0x136: {  	v4 =	vld [tilespmem:s17+$0xFFFFFF90]  }
0x137: {  	v5 =	vld [tilespmem:s17+$0xFFFFFFA0]  }
0x138: {  	v6 =	vld [tilespmem:s17+$0xFFFFFFB0]  }
0x139: {  	v7 =	vld [tilespmem:s17+$0xFFFFFFC0]  }
0x13a: {  	v8 =	vld [tilespmem:s21+$0x4100]  }
0x13b: {  	v9 =	vld [tilespmem:s17+$0xFFFFFFE0]  }
0x13c: {  	v10 =	vld [tilespmem:s17+$0xFFFFFFF0]  }
0x13d: {  	v11 =	vld [tilespmem:s17+$0x0]  }
0x13e: {  	v0 =	vld.idx.msk [tilespmem:v0+s4+$0x0], $0xffff  }
0x13f: {  	v1 =	vld.idx.msk [tilespmem:v1+s4+$0x0], $0xffff  }
0x140: {  	v2 =	vld.idx.msk [tilespmem:v2+s4+$0x0], $0xffff  }
0x141: {  	v3 =	vld.idx.msk [tilespmem:v3+s4+$0x0], $0xffff  }
0x142: {  	v4 =	vld.idx.msk [tilespmem:v4+s4+$0x0], $0xffff  }
0x143: {  	v5 =	vld.idx.msk [tilespmem:v5+s4+$0x0], $0xffff  }
0x144: {  	v6 =	vld.idx.msk [tilespmem:v6+s4+$0x0], $0xffff  }
0x145: {  	v7 =	vld.idx.msk [tilespmem:v7+s4+$0x0], $0xffff  }
0x146: {  	v8 =	vld.idx.msk [tilespmem:v8+s4+$0x0], $0xffff  }
0x147: {  	v9 =	vld.idx.msk [tilespmem:v9+s4+$0x0], $0xffff  }
0x148: {  	v10 =	vld.idx.msk [tilespmem:v10+s4+$0x0], $0xffff  }
0x149: {  	v11 =	vld.idx.msk [tilespmem:v11+s4+$0x0], $0xffff;
	[tilespmem:s20+$0x8100] =	vst v0  }
0x14a: {  	[tilespmem:s20+$0x8110] =	vst v1  }
0x14b: {  	[tilespmem:s20+$0x8120] =	vst v2  }
0x14c: {  	[tilespmem:s20+$0x8130] =	vst v3  }
0x14d: {  	[tilespmem:s20+$0x8140] =	vst v4  }
0x14e: {  	[tilespmem:s20+$0x8150] =	vst v5  }
0x14f: {  	[tilespmem:s20+$0x8160] =	vst v6  }
0x150: {  	[tilespmem:s20+$0x8170] =	vst v7  }
0x151: {  	[tilespmem:s20+$0x8500] =	vst v8  }
0x152: {  	[tilespmem:s20+$0x8510] =	vst v9  }
0x153: {  	[tilespmem:s20+$0x8520] =	vst v10  }
0x154: {  	[tilespmem:s20+$0x8530] =	vst v11  }
0x155: {  	v0 =	vld [tilespmem:s19+$0xFFFFFDE8]  }
0x156: {  	v1 =	vld [tilespmem:s19+$0xFFFFFDF8]  }
0x157: {  	v2 =	vld [tilespmem:s19+$0xFFFFFE08]  }
0x158: {  	v3 =	vld [tilespmem:s19+$0xFFFFFE18]  }
0x159: {  	v4 =	vld [tilespmem:s19+$0xFFFFFE28]  }
0x15a: {  	v5 =	vld [tilespmem:s19+$0xFFFFFE38]  }
0x15b: {  	v6 =	vld [tilespmem:s19+$0xFFFFFE48]  }
0x15c: {  	v7 =	vld [tilespmem:s19+$0xFFFFFE58]  }
0x15d: {  	v8 =	vld [tilespmem:s19+$0xFFFFFE68]  }
0x15e: {  	v9 =	vld [tilespmem:s19+$0xFFFFFE78]  }
0x15f: {  	v10 =	vld [tilespmem:s19+$0xFFFFFE88]  }
0x160: {  	v11 =	vld [tilespmem:s19+$0xFFFFFE98]  }
0x161: {  	v0 =	vld.idx.msk [tilespmem:v0+s4+$0x0], $0xffff  }
0x162: {  	v1 =	vld.idx.msk [tilespmem:v1+s4+$0x0], $0xffff  }
0x163: {  	v2 =	vld.idx.msk [tilespmem:v2+s4+$0x0], $0xffff  }
0x164: {  	v3 =	vld.idx.msk [tilespmem:v3+s4+$0x0], $0xffff  }
0x165: {  	v4 =	vld.idx.msk [tilespmem:v4+s4+$0x0], $0xffff  }
0x166: {  	v5 =	vld.idx.msk [tilespmem:v5+s4+$0x0], $0xffff  }
0x167: {  	v6 =	vld.idx.msk [tilespmem:v6+s4+$0x0], $0xffff  }
0x168: {  	v7 =	vld.idx.msk [tilespmem:v7+s4+$0x0], $0xffff  }
0x169: {  	v8 =	vld.idx.msk [tilespmem:v8+s4+$0x0], $0xffff  }
0x16a: {  	v9 =	vld.idx.msk [tilespmem:v9+s4+$0x0], $0xffff  }
0x16b: {  	v10 =	vld.idx.msk [tilespmem:v10+s4+$0x0], $0xffff  }
0x16c: {  	v11 =	vld.idx.msk [tilespmem:v11+s4+$0x0], $0xffff;
	[tilespmem:s20+$0x8540] =	vst v0  }
0x16d: {  	[tilespmem:s20+$0x8550] =	vst v1  }
0x16e: {  	[tilespmem:s20+$0x8560] =	vst v2  }
0x16f: {  	[tilespmem:s20+$0x8570] =	vst v3  }
0x170: {  	[tilespmem:s20+$0x8900] =	vst v4  }
0x171: {  	[tilespmem:s20+$0x8910] =	vst v5  }
0x172: {  	[tilespmem:s20+$0x8920] =	vst v6  }
0x173: {  	[tilespmem:s20+$0x8930] =	vst v7  }
0x174: {  	[tilespmem:s20+$0x8940] =	vst v8  }
0x175: {  	[tilespmem:s20+$0x8950] =	vst v9  }
0x176: {  	[tilespmem:s20+$0x8960] =	vst v10  }
0x177: {  	[tilespmem:s20+$0x8970] =	vst v11  }
0x178: {  	v0 =	vld [tilespmem:s19+$0xFFFFFEA8]  }
0x179: {  	v1 =	vld [tilespmem:s19+$0xFFFFFEB8]  }
0x17a: {  	v2 =	vld [tilespmem:s19+$0xFFFFFEC8]  }
0x17b: {  	v3 =	vld [tilespmem:s19+$0xFFFFFED8]  }
0x17c: {  	v4 =	vld [tilespmem:s19+$0xFFFFFEE8]  }
0x17d: {  	v5 =	vld [tilespmem:s19+$0xFFFFFEF8]  }
0x17e: {  	v6 =	vld [tilespmem:s19+$0xFFFFFF08]  }
0x17f: {  	v7 =	vld [tilespmem:s19+$0xFFFFFF18]  }
0x180: {  	v8 =	vld [tilespmem:s19+$0xFFFFFF28]  }
0x181: {  	v9 =	vld [tilespmem:s19+$0xFFFFFF38]  }
0x182: {  	v10 =	vld [tilespmem:s19+$0xFFFFFF48]  }
0x183: {  	v11 =	vld [tilespmem:s19+$0xFFFFFF58]  }
0x184: {  	v0 =	vld.idx.msk [tilespmem:v0+s4+$0x0], $0xffff  }
0x185: {  	v1 =	vld.idx.msk [tilespmem:v1+s4+$0x0], $0xffff  }
0x186: {  	v2 =	vld.idx.msk [tilespmem:v2+s4+$0x0], $0xffff  }
0x187: {  	v3 =	vld.idx.msk [tilespmem:v3+s4+$0x0], $0xffff  }
0x188: {  	v4 =	vld.idx.msk [tilespmem:v4+s4+$0x0], $0xffff  }
0x189: {  	v5 =	vld.idx.msk [tilespmem:v5+s4+$0x0], $0xffff  }
0x18a: {  	v6 =	vld.idx.msk [tilespmem:v6+s4+$0x0], $0xffff  }
0x18b: {  	v7 =	vld.idx.msk [tilespmem:v7+s4+$0x0], $0xffff  }
0x18c: {  	v8 =	vld.idx.msk [tilespmem:v8+s4+$0x0], $0xffff  }
0x18d: {  	v9 =	vld.idx.msk [tilespmem:v9+s4+$0x0], $0xffff  }
0x18e: {  	v10 =	vld.idx.msk [tilespmem:v10+s4+$0x0], $0xffff  }
0x18f: {  	v11 =	vld.idx.msk [tilespmem:v11+s4+$0x0], $0xffff;
	[tilespmem:s20+$0x8D00] =	vst v0  }
0x190: {  	[tilespmem:s20+$0x8D10] =	vst v1  }
0x191: {  	[tilespmem:s20+$0x8D20] =	vst v2  }
0x192: {  	[tilespmem:s20+$0x8D30] =	vst v3  }
0x193: {  	[tilespmem:s20+$0x8D40] =	vst v4  }
0x194: {  	[tilespmem:s20+$0x8D50] =	vst v5  }
0x195: {  	[tilespmem:s20+$0x8D60] =	vst v6  }
0x196: {  	[tilespmem:s20+$0x8D70] =	vst v7  }
0x197: {  	[tilespmem:s20+$0x9100] =	vst v8  }
0x198: {  	[tilespmem:s20+$0x9110] =	vst v9  }
0x199: {  	[tilespmem:s20+$0x9120] =	vst v10  }
0x19a: {  	[tilespmem:s20+$0x9130] =	vst v11  }
0x19b: {  	v0 =	vld [tilespmem:s19+$0xFFFFFF68]  }
0x19c: {  	v1 =	vld [tilespmem:s19+$0xFFFFFF78]  }
0x19d: {  	v2 =	vld [tilespmem:s19+$0xFFFFFF88]  }
0x19e: {  	v3 =	vld [tilespmem:s19+$0xFFFFFF98]  }
0x19f: {  	v4 =	vld [tilespmem:s19+$0xFFFFFFA8]  }
0x1a0: {  	v5 =	vld [tilespmem:s19+$0xFFFFFFB8]  }
0x1a1: {  	v6 =	vld [tilespmem:s19+$0xFFFFFFC8]  }
0x1a2: {  	v7 =	vld [tilespmem:s19+$0xFFFFFFD8]  }
0x1a3: {  	v8 =	vld [tilespmem:s19+$0xFFFFFFE8]  }
0x1a4: {  	v9 =	vld [tilespmem:s19+$0xFFFFFFF8]  }
0x1a5: {  	v10 =	vld [tilespmem:s19+$0x0]  }
0x1a6: {  	v0 =	vld.idx.msk [tilespmem:v0+s4+$0x0], $0xffff  }
0x1a7: {  	v1 =	vld.idx.msk [tilespmem:v1+s4+$0x0], $0xffff  }
0x1a8: {  	v2 =	vld.idx.msk [tilespmem:v2+s4+$0x0], $0xffff  }
0x1a9: {  	v3 =	vld.idx.msk [tilespmem:v3+s4+$0x0], $0xffff  }
0x1aa: {  	v4 =	vld.idx.msk [tilespmem:v4+s4+$0x0], $0xffff  }
0x1ab: {  	v5 =	vld.idx.msk [tilespmem:v5+s4+$0x0], $0xffff  }
0x1ac: {  	v6 =	vld.idx.msk [tilespmem:v6+s4+$0x0], $0xffff  }
0x1ad: {  	v7 =	vld.idx.msk [tilespmem:v7+s4+$0x0], $0xffff  }
0x1ae: {  	v8 =	vld.idx.msk [tilespmem:v8+s4+$0x0], $0xffff  }
0x1af: {  	v9 =	vld.idx.msk [tilespmem:v9+s4+$0x0], $0xffff  }
0x1b0: {  	v10 =	vld.idx.msk [tilespmem:v10+s4+$0x0], $0xffff;
	[tilespmem:s20+$0x9140] =	vst v0  }
0x1b1: {  	[tilespmem:s20+$0x9150] =	vst v1  }
0x1b2: {  	[tilespmem:s20+$0x9160] =	vst v2  }
0x1b3: {  	[tilespmem:s20+$0x9170] =	vst v3  }
0x1b4: {  	[tilespmem:s20+$0x9500] =	vst v4  }
0x1b5: {  	p0 =	sne.s32 s15, $0xE00;
	[tilespmem:s20+$0x9510] =	vst v5  }
.Ltmp1:
0x1b6: {  	[tilespmem:s20+$0x9520] =	vst v6;
	(pc) =	sbr.rel @p0 .LBB2_4-.Ltmp1, $4  }
0x1b7: {  	[tilespmem:s20+$0x9530] =	vst v7  }
0x1b8: {  	[tilespmem:s20+$0x9540] =	vst v8  }
0x1b9: {  	s16 =	sadd.s32 $0x1, s16;
	s18 =	sadd.s32 $0x240, s18;
	[tilespmem:s20+$0x9550] =	vst v9  }
0x1ba: {  	s15 =	sadd.s32 $0x200, s15;
	s17 =	sadd.s32 $0x240, s17;
	s19 =	sadd.s32 $0x240, s19;
	[tilespmem:s20+$0x9558] =	vst v10  }
0x1bb: {  	[hbm4b:s7+s4] =	stream.linear.scatter [tilespmem:s13], [sflag:$0x1], $0x2400, $0x38;
	[tilespmem:$0xE100] =	vst v63  }
0x1bc: {  	s14 =	sadd.s32 $0x1, s14  }
0x1bd: {  	_ =	swait.ge [sflag:s11], $0x4800;
	p0 =	sne.s32 s14, s8  }
.Ltmp2:
0x1be: {  	[sflag:s11] =	ssyncset.done $0x0;
	(pc) =	sbr.rel @p0 .LBB2_1-.Ltmp2, $4  }
0x1bf: {  	[sflag:s11] =	ssyncadd.s32 $0xFFFFB800  }
0x1c0: {  	_ =	swait.ge [sflag:s11], $0x2400  }
0x1c1: {  	[sflag:s11] =	ssyncset.done $0x0  }
0x1c2: {  	[sflag:s11] =	ssyncadd.s32 $0xFFFFDC00  }
0x1c3: {  	_ =	sfence.sel $0x180000  }
0x1c4: {  	[bflag:$0x0] =	sbarrier.arrive $0xFFFF  }
0x1c5: {  	p0 =	sne.s32 s0, $0x0;
	_ =	strace $0x90000047  }
0x1c6: {  	s0 =	sadd.s32 @!p0 $0x100000, s2;
	[bflag:$0x2] =	sbarrier.arrive $0xFFFF  }
0x1c7: {  	[sflag:s0] =	ssyncadd.tile.s32 @!p0 $0x1;
	_ =	shalt  }
.Lfunc_end2:
_tile_overlayer_lowered:
.L_overlay_start_2:
0x1c8: {  	(tag) =	ssettag $0x2  }
0x1c9: {  	s0 =	rddreg [dreg:$0x0];
	s2 =	stileid.u32  }
0x1ca: {  	s1 =	rddreg [dreg:$0x1];
	p0 =	sne.s32 s2, $0x0  }
0x1cb: {  	s3 =	rddreg [dreg:$0x2];
	[bflag:$0x3] =	sbarrier.arrive $0xFFFF;
	s2 =	simm.s32 @!p0 $0x1C02  }
0x1cc: {  	[timem:s3], [sflag:s2] =	dma.local @!p0 [hbm:s0], s1  }
0x1cd: {  	s0 =	simm.s32 @!p0 $0x2  }
0x1ce: {  	_ =	swait.ge @!p0 [sflag:s0], s1  }
0x1cf: {  	s1 =	ssub.s32 @!p0 $0x0, s1;
	[sflag:s0] =	ssyncset.done @!p0 $0x0  }
0x1d0: {  	[sflag:s0] =	ssyncadd.s32 @!p0 s1  }
0x1d1: {  	[bflag:$0x3] =	sbarrier.arrive $0xFFFF  }
0x1d2: {  	_ =	shalt  }

</sc_bundles>
